<compile_context>
chip_gen: v7x
topology: tpu7x:2x2x1
jax: 0.10.2.dev20260603
libtpu: 0.0.44.dev20260713+nightly
codegen_flags: <defaults>
</compile_context>

<pallas_src>
import numpy as np
import jax
import jax.numpy as jnp
from jax.experimental import pallas as pl
from jax.experimental.pallas import tpu as pltpu

V = 21
K = 3
T = 256
HALO = 4
TP = T + 2 * HALO
H = 64
ROWS = V * TP
_EDGES = [(0, 1), (1, 2), (2, 3), (3, 4), (0, 5), (5, 6), (6, 7), (7, 8),
          (0, 9), (9, 10), (10, 11), (11, 12), (0, 13), (13, 14), (14, 15),
          (15, 16), (0, 17), (17, 18), (18, 19), (19, 20)]


def _adjacency_triples():
    A = np.zeros((V, V), dtype=np.float64)
    for i, j in _EDGES:
        A[i, j] = 1.0
        A[j, i] = 1.0
    d = np.full(V, -1, dtype=np.int64)
    d[0] = 0
    frontier = [0]
    while frontier:
        nxt = []
        for u in frontier:
            for w in range(V):
                if A[u, w] > 0 and d[w] < 0:
                    d[w] = d[u] + 1
                    nxt.append(w)
        frontier = nxt
    Ahat = A + np.eye(V)
    AD = (Ahat / Ahat.sum(axis=0, keepdims=True)).astype(np.float32)
    A0 = AD * (d[:, None] == d[None, :])
    A1 = AD * (d[None, :] < d[:, None])
    A2 = AD * (d[None, :] > d[:, None])
    Astack = np.stack([A0, A1, A2], axis=0)
    by_w = []
    for w in range(V):
        terms = []
        for k in range(K):
            for v in range(V):
                c = float(Astack[k, v, w])
                if c != 0.0:
                    terms.append((k, v, c))
        by_w.append(terms)
    return by_w


_BY_W = _adjacency_triples()


def _stgcn_body(x_ref, validf_ref, tprel_ref, wg0, wt0, wr0,
                wg1, wt1, wg2, wt2, out_ref):
    xb = x_ref[0]
    C = xb.shape[1] // 2
    validf = validf_ref[:]
    tprel = tprel_ref[:]

    def seq_len(xh):
        nzc = jnp.all(xh != 0.0, axis=1, keepdims=True)
        frame_ok = nzc[0:TP]
        for v in range(1, V):
            frame_ok = jnp.logical_and(frame_ok, nzc[v * TP:(v + 1) * TP])
        return jnp.sum(frame_ok.astype(jnp.int32))

    lens0 = seq_len(xb[:, 0:C])
    lens1 = seq_len(xb[:, C:2 * C])

    def block(h, wg, wt, res, mask):
        g = jnp.dot(h, wg[:], preferred_element_type=jnp.float32)
        gs = [g[:, k * 2 * H:(k + 1) * 2 * H] for k in range(K)]
        out_rows = []
        for w in range(V):
            acc = None
            for (k, v, c) in _BY_W[w]:
                term = c * gs[k][v * TP:(v + 1) * TP, :]
                acc = term if acc is None else acc + term
            out_rows.append(acc)
        a = jnp.concatenate(out_rows, axis=0)
        n = ROWS - 2 * HALO
        a9 = jnp.concatenate([a[dt:n + dt, :] for dt in range(9)], axis=1)
        t = jnp.dot(a9, wt[:], preferred_element_type=jnp.float32)
        t = jnp.concatenate(
            [jnp.zeros((HALO, 2 * H), jnp.float32), t,
             jnp.zeros((HALO, 2 * H), jnp.float32)], axis=0)
        r = jnp.maximum(t + res, 0.0)
        return r * mask if mask is not None else r

    res0 = jnp.dot(xb, wr0[:], preferred_element_type=jnp.float32)
    h = block(xb, wg0, wt0, res0, validf)
    h = block(h, wg1, wt1, h, validf)
    h = block(h, wg2, wt2, h, None)

    m0 = (tprel < lens0).astype(jnp.float32)
    m1 = (tprel < lens1).astype(jnp.float32)
    h0 = h[:, 0:H] * m0
    h1 = h[:, H:2 * H] * m1
    for v in range(V):
        out_ref[0, v] = h0[v * TP + HALO:v * TP + HALO + T, :]
        out_ref[1, v] = h1[v * TP + HALO:v * TP + HALO + T, :]


def _bd(w):
    return jnp.kron(jnp.eye(2, dtype=w.dtype), w)


def _prep_gcn(Wg, cin):
    wg = Wg.reshape(cin, K, H).transpose(1, 0, 2)
    wg = jax.vmap(_bd)(wg)
    return jnp.concatenate([wg[k] for k in range(K)], axis=1)


def _prep_tcn(Wt):
    wt = Wt.transpose(2, 1, 0)
    return jax.vmap(_bd)(wt).reshape(9 * 2 * H, 2 * H)


def kernel(x, Wg0, bg0, Wt0, bt0, Wr0, Wg1, bg1, Wt1, bt1,
           Wg2, bg2, Wt2, bt2):
    B, Tn, Vn, C = x.shape
    B2 = B // 2
    xt = x.reshape(B2, 2, Tn, Vn, C).transpose(0, 3, 2, 1, 4)
    xp = jnp.pad(xt, ((0, 0), (0, 0), (HALO, HALO), (0, 0), (0, 0)))
    xp = xp.reshape(B2, ROWS, 2 * C)

    tp_idx = np.arange(ROWS, dtype=np.int32) % TP
    validf = ((tp_idx >= HALO) & (tp_idx < HALO + T)).astype(np.float32)
    tprel = np.where(validf > 0, tp_idx - HALO, -1).astype(np.int32)
    validf = jnp.asarray(validf.reshape(ROWS, 1))
    tprel = jnp.asarray(tprel.reshape(ROWS, 1))

    wg0 = _prep_gcn(Wg0, C)
    wg1 = _prep_gcn(Wg1, H)
    wg2 = _prep_gcn(Wg2, H)
    wt0 = _prep_tcn(Wt0)
    wt1 = _prep_tcn(Wt1)
    wt2 = _prep_tcn(Wt2)
    wr0 = _bd(Wr0)

    full = lambda shape: pl.BlockSpec(shape, lambda b: (0,) * len(shape))
    out = pl.pallas_call(
        _stgcn_body,
        grid=(B2,),
        in_specs=[
            pl.BlockSpec((1, ROWS, 2 * C), lambda b: (b, 0, 0)),
            full((ROWS, 1)), full((ROWS, 1)),
            full((2 * C, K * 2 * H)),
            full((9 * 2 * H, 2 * H)),
            full((2 * C, 2 * H)),
            full((2 * H, K * 2 * H)),
            full((9 * 2 * H, 2 * H)),
            full((2 * H, K * 2 * H)),
            full((9 * 2 * H, 2 * H)),
        ],
        out_specs=pl.BlockSpec((2, V, T, H), lambda b: (b, 0, 0, 0)),
        out_shape=jax.ShapeDtypeStruct((B, V, T, H), jnp.float32),
        compiler_params=pltpu.CompilerParams(
            dimension_semantics=("parallel",),
            vmem_limit_bytes=100 * 1024 * 1024),
    )(xp, validf, tprel, wg0, wt0, wr0, wg1, wt1, wg2, wt2)
    return jnp.transpose(out, (0, 3, 2, 1))

# --- scband reference (transcript-rebuilt; emitter-appended) ---
"""Pipeline reference for scband-gesture-extractor-44229573214352 (READ-ONLY COPY).

The authoritative reference and input builder live on the scoring server;
editing this copy changes nothing except your own understanding.
"""

import jax, jax.numpy as jnp
from jax import lax
import numpy as np

V = 21
K = 3
_EDGES = [(0,1),(1,2),(2,3),(3,4),(0,5),(5,6),(6,7),(7,8),(0,9),(9,10),(10,11),(11,12),(0,13),(13,14),(14,15),(15,16),(0,17),(17,18),(18,19),(19,20)]

def _build_adjacency():
    A = np.zeros((V, V), dtype=np.float32)
    for i, j in _EDGES:
        A[i, j] = 1.0
        A[j, i] = 1.0
    d = np.full(V, -1, dtype=np.int32)
    d[0] = 0
    frontier = [0]
    while frontier:
        nxt = []
        for u in frontier:
            for w in range(V):
                if A[u, w] > 0 and d[w] < 0:
                    d[w] = d[u] + 1
                    nxt.append(w)
        frontier = nxt
    Ahat = A + np.eye(V, dtype=np.float32)
    AD = Ahat / Ahat.sum(axis=0, keepdims=True)
    A0 = AD * (d[:, None] == d[None, :])
    A1 = AD * (d[None, :] < d[:, None])
    A2 = AD * (d[None, :] > d[:, None])
    return jnp.asarray(np.stack([A0, A1, A2], axis=0))

_A = _build_adjacency()

def setup_inputs(seed: int = 0):
    key = jax.random.key(seed)
    ks = jax.random.split(key, 16)
    B, T, C_in, H = 32, 256, 3, 64
    x = jax.random.normal(ks[0], (B, T, V, C_in), dtype=jnp.float32)
    def gcn_w(k, cin, cout):
        return jax.random.normal(k, (cin, K * cout), dtype=jnp.float32) * (1.0 / np.sqrt(cin))
    def tcn_w(k, c):
        return jax.random.normal(k, (c, c, 9), dtype=jnp.float32) * (1.0 / np.sqrt(c * 9.0))
    return {
        'x': x,
        'Wg0': gcn_w(ks[1], C_in, H), 'bg0': jnp.zeros((K * H,), jnp.float32),
        'Wt0': tcn_w(ks[2], H), 'bt0': jnp.zeros((H,), jnp.float32),
        'Wr0': jax.random.normal(ks[3], (C_in, H), dtype=jnp.float32) * (1.0 / np.sqrt(C_in)),
        'Wg1': gcn_w(ks[4], H, H), 'bg1': jnp.zeros((K * H,), jnp.float32),
        'Wt1': tcn_w(ks[5], H), 'bt1': jnp.zeros((H,), jnp.float32),
        'Wg2': gcn_w(ks[6], H, H), 'bg2': jnp.zeros((K * H,), jnp.float32),
        'Wt2': tcn_w(ks[7], H), 'bt2': jnp.zeros((H,), jnp.float32),
    }

def _st_gcn_block(h, Wg, bg, Wt, bt, res):
    B, C, T, Vn = h.shape
    cout = Wg.shape[1] // K
    g = jnp.einsum('bctv,ck->bktv', h, Wg) + bg[None, :, None, None]
    g = g.reshape(B, K, cout, T, Vn)
    g = jnp.einsum('bkctv,kvw->bctw', g, _A)
    gp = jnp.pad(g, ((0, 0), (0, 0), (4, 4), (0, 0)))
    t = lax.conv_general_dilated(gp, Wt[:, :, :, None], window_strides=(1, 1), padding='VALID', dimension_numbers=('NCHW', 'OIHW', 'NCHW'))
    t = t + bt[None, :, None, None]
    return jax.nn.relu(t + res)

def reference(x, Wg0, bg0, Wt0, bt0, Wr0, Wg1, bg1, Wt1, bt1, Wg2, bg2, Wt2, bt2):
    # lens = (x != 0.0).all(-1).all(-1).sum(1)
    lens = jnp.sum(jnp.all(jnp.all(x != 0.0, axis=-1), axis=-1).astype(jnp.int32), axis=1)
    # x.unsqueeze(-1).permute(0,3,1,2,4) -> [B, C, T, V, 1]; M=1 squeezed
    h = jnp.transpose(x, (0, 3, 1, 2))
    res0 = jnp.einsum('bctv,ch->bhtv', h, Wr0)
    h = _st_gcn_block(h, Wg0, bg0, Wt0, bt0, res0)
    h = _st_gcn_block(h, Wg1, bg1, Wt1, bt1, h)
    h = _st_gcn_block(h, Wg2, bg2, Wt2, bt2, h)
    T = h.shape[2]
    mask = (jnp.arange(T)[None, :] < lens[:, None]).astype(h.dtype)
    return h * mask[:, None, :, None]

if __name__ == "__main__":
    import jax
    _d = setup_inputs()
    print(jax.jit(kernel)(*tuple(_d.values())))

</pallas_src>

<mosaic_0001>
module attributes {stable_mosaic.version = 14 : i64} {
  func.func @_stgcn_body(%arg0: i32, %arg1: memref<1x5544x6xf32, #tpu.memory_space<vmem>>, %arg2: memref<5544x1xf32, #tpu.memory_space<vmem>>, %arg3: memref<5544x1xi32, #tpu.memory_space<vmem>>, %arg4: memref<6x384xf32, #tpu.memory_space<vmem>>, %arg5: memref<1152x128xf32, #tpu.memory_space<vmem>>, %arg6: memref<6x128xf32, #tpu.memory_space<vmem>>, %arg7: memref<128x384xf32, #tpu.memory_space<vmem>>, %arg8: memref<1152x128xf32, #tpu.memory_space<vmem>>, %arg9: memref<128x384xf32, #tpu.memory_space<vmem>>, %arg10: memref<1152x128xf32, #tpu.memory_space<vmem>>, %arg11: memref<2x21x256x64xf32, #tpu.memory_space<vmem>>) attributes {dimension_semantics = [#tpu.dimension_semantics<parallel>], iteration_bounds = array<i64: 16>, scalar_prefetch = 0 : i64, scratch_operands = 0 : i64, tpu.core_type = #tpu.core_type<tc>, window_params = [{transform_indices = @transform_0, window_bounds = array<i64: 1, 5544, 6>}, {pipeline_mode = #tpu.pipeline_mode<synchronous>, transform_indices = @transform_1, window_bounds = array<i64: 5544, 1>}, {pipeline_mode = #tpu.pipeline_mode<synchronous>, transform_indices = @transform_2, window_bounds = array<i64: 5544, 1>}, {pipeline_mode = #tpu.pipeline_mode<synchronous>, transform_indices = @transform_3, window_bounds = array<i64: 6, 384>}, {pipeline_mode = #tpu.pipeline_mode<synchronous>, transform_indices = @transform_4, window_bounds = array<i64: 1152, 128>}, {pipeline_mode = #tpu.pipeline_mode<synchronous>, transform_indices = @transform_5, window_bounds = array<i64: 6, 128>}, {pipeline_mode = #tpu.pipeline_mode<synchronous>, transform_indices = @transform_6, window_bounds = array<i64: 128, 384>}, {pipeline_mode = #tpu.pipeline_mode<synchronous>, transform_indices = @transform_7, window_bounds = array<i64: 1152, 128>}, {pipeline_mode = #tpu.pipeline_mode<synchronous>, transform_indices = @transform_8, window_bounds = array<i64: 128, 384>}, {pipeline_mode = #tpu.pipeline_mode<synchronous>, transform_indices = @transform_9, window_bounds = array<i64: 1152, 128>}, {transform_indices = @transform_10, window_bounds = array<i64: 2, 21, 256, 64>}]} {
    %get3A = arith.constant 0 : index
    %get3A_0 = arith.constant 0 : index
    %get3A_1 = arith.constant 0 : index
    %get3A_2 = vector.load %arg1[%get3A, %get3A_0, %get3A_1] : memref<1x5544x6xf32, #tpu.memory_space<vmem>>, vector<1x5544x6xf32>
    %get3A_3 = vector.shape_cast %get3A_2 : vector<1x5544x6xf32> to vector<5544x6xf32>
    %get3A_4 = arith.constant 0 : index
    %get3A_5 = arith.constant 0 : index
    %get3A_6 = vector.load %arg2[%get3A_4, %get3A_5] : memref<5544x1xf32, #tpu.memory_space<vmem>>, vector<5544x1xf32>
    %get3A_7 = arith.constant 0 : index
    %get3A_8 = arith.constant 0 : index
    %get3A_9 = vector.load %arg3[%get3A_7, %get3A_8] : memref<5544x1xi32, #tpu.memory_space<vmem>>, vector<5544x1xi32>
    %slice3A = vector.extract_strided_slice %get3A_3 {offsets = [0, 0], sizes = [5544, 3], strides = [1, 1]} : vector<5544x6xf32> to vector<5544x3xf32>
    %ne3A = arith.constant 0.000000e+00 : f32
    %ne3A_10 = vector.broadcast %ne3A : f32 to vector<5544x3xf32>
    %ne3A_11 = arith.cmpf one, %slice3A, %ne3A_10 : vector<5544x3xf32>
    %reduce_and3A = arith.constant 1.000000e+00 : f32
    %reduce_and3A_12 = arith.constant 0.000000e+00 : f32
    %reduce_and3A_13 = vector.broadcast %reduce_and3A : f32 to vector<5544x3xf32>
    %reduce_and3A_14 = vector.broadcast %reduce_and3A_12 : f32 to vector<5544x3xf32>
    %reduce_and3A_15 = arith.select %ne3A_11, %reduce_and3A_13, %reduce_and3A_14 : vector<5544x3xi1>, vector<5544x3xf32>
    %reduce_and3A_16 = arith.constant dense<0x7F800000> : vector<5544xf32>
    %reduce_and3A_17 = vector.multi_reduction <minimumf>, %reduce_and3A_15, %reduce_and3A_16 [1] : vector<5544x3xf32> to vector<5544xf32>
    %reduce_and3A_18 = arith.constant 0.000000e+00 : f32
    %reduce_and3A_19 = vector.broadcast %reduce_and3A_18 : f32 to vector<5544xf32>
    %reduce_and3A_20 = arith.cmpf ogt, %reduce_and3A_17, %reduce_and3A_19 : vector<5544xf32>
    %broadcast_in_dim3A = vector.shape_cast %reduce_and3A_20 : vector<5544xi1> to vector<5544x1xi1>
    %slice3A_21 = vector.extract_strided_slice %broadcast_in_dim3A {offsets = [0, 0], sizes = [264, 1], strides = [1, 1]} : vector<5544x1xi1> to vector<264x1xi1>
    %slice3A_22 = vector.extract_strided_slice %broadcast_in_dim3A {offsets = [264, 0], sizes = [264, 1], strides = [1, 1]} : vector<5544x1xi1> to vector<264x1xi1>
    %and3A = arith.andi %slice3A_21, %slice3A_22 : vector<264x1xi1>
    %slice3A_23 = vector.extract_strided_slice %broadcast_in_dim3A {offsets = [528, 0], sizes = [264, 1], strides = [1, 1]} : vector<5544x1xi1> to vector<264x1xi1>
    %and3A_24 = arith.andi %and3A, %slice3A_23 : vector<264x1xi1>
    %slice3A_25 = vector.extract_strided_slice %broadcast_in_dim3A {offsets = [792, 0], sizes = [264, 1], strides = [1, 1]} : vector<5544x1xi1> to vector<264x1xi1>
    %and3A_26 = arith.andi %and3A_24, %slice3A_25 : vector<264x1xi1>
    %slice3A_27 = vector.extract_strided_slice %broadcast_in_dim3A {offsets = [1056, 0], sizes = [264, 1], strides = [1, 1]} : vector<5544x1xi1> to vector<264x1xi1>
    %and3A_28 = arith.andi %and3A_26, %slice3A_27 : vector<264x1xi1>
    %slice3A_29 = vector.extract_strided_slice %broadcast_in_dim3A {offsets = [1320, 0], sizes = [264, 1], strides = [1, 1]} : vector<5544x1xi1> to vector<264x1xi1>
    %and3A_30 = arith.andi %and3A_28, %slice3A_29 : vector<264x1xi1>
    %slice3A_31 = vector.extract_strided_slice %broadcast_in_dim3A {offsets = [1584, 0], sizes = [264, 1], strides = [1, 1]} : vector<5544x1xi1> to vector<264x1xi1>
    %and3A_32 = arith.andi %and3A_30, %slice3A_31 : vector<264x1xi1>
    %slice3A_33 = vector.extract_strided_slice %broadcast_in_dim3A {offsets = [1848, 0], sizes = [264, 1], strides = [1, 1]} : vector<5544x1xi1> to vector<264x1xi1>
    %and3A_34 = arith.andi %and3A_32, %slice3A_33 : vector<264x1xi1>
    %slice3A_35 = vector.extract_strided_slice %broadcast_in_dim3A {offsets = [2112, 0], sizes = [264, 1], strides = [1, 1]} : vector<5544x1xi1> to vector<264x1xi1>
    %and3A_36 = arith.andi %and3A_34, %slice3A_35 : vector<264x1xi1>
    %slice3A_37 = vector.extract_strided_slice %broadcast_in_dim3A {offsets = [2376, 0], sizes = [264, 1], strides = [1, 1]} : vector<5544x1xi1> to vector<264x1xi1>
    %and3A_38 = arith.andi %and3A_36, %slice3A_37 : vector<264x1xi1>
    %slice3A_39 = vector.extract_strided_slice %broadcast_in_dim3A {offsets = [2640, 0], sizes = [264, 1], strides = [1, 1]} : vector<5544x1xi1> to vector<264x1xi1>
    %and3A_40 = arith.andi %and3A_38, %slice3A_39 : vector<264x1xi1>
    %slice3A_41 = vector.extract_strided_slice %broadcast_in_dim3A {offsets = [2904, 0], sizes = [264, 1], strides = [1, 1]} : vector<5544x1xi1> to vector<264x1xi1>
    %and3A_42 = arith.andi %and3A_40, %slice3A_41 : vector<264x1xi1>
    %slice3A_43 = vector.extract_strided_slice %broadcast_in_dim3A {offsets = [3168, 0], sizes = [264, 1], strides = [1, 1]} : vector<5544x1xi1> to vector<264x1xi1>
    %and3A_44 = arith.andi %and3A_42, %slice3A_43 : vector<264x1xi1>
    %slice3A_45 = vector.extract_strided_slice %broadcast_in_dim3A {offsets = [3432, 0], sizes = [264, 1], strides = [1, 1]} : vector<5544x1xi1> to vector<264x1xi1>
    %and3A_46 = arith.andi %and3A_44, %slice3A_45 : vector<264x1xi1>
    %slice3A_47 = vector.extract_strided_slice %broadcast_in_dim3A {offsets = [3696, 0], sizes = [264, 1], strides = [1, 1]} : vector<5544x1xi1> to vector<264x1xi1>
    %and3A_48 = arith.andi %and3A_46, %slice3A_47 : vector<264x1xi1>
    %slice3A_49 = vector.extract_strided_slice %broadcast_in_dim3A {offsets = [3960, 0], sizes = [264, 1], strides = [1, 1]} : vector<5544x1xi1> to vector<264x1xi1>
    %and3A_50 = arith.andi %and3A_48, %slice3A_49 : vector<264x1xi1>
    %slice3A_51 = vector.extract_strided_slice %broadcast_in_dim3A {offsets = [4224, 0], sizes = [264, 1], strides = [1, 1]} : vector<5544x1xi1> to vector<264x1xi1>
    %and3A_52 = arith.andi %and3A_50, %slice3A_51 : vector<264x1xi1>
    %slice3A_53 = vector.extract_strided_slice %broadcast_in_dim3A {offsets = [4488, 0], sizes = [264, 1], strides = [1, 1]} : vector<5544x1xi1> to vector<264x1xi1>
    %and3A_54 = arith.andi %and3A_52, %slice3A_53 : vector<264x1xi1>
    %slice3A_55 = vector.extract_strided_slice %broadcast_in_dim3A {offsets = [4752, 0], sizes = [264, 1], strides = [1, 1]} : vector<5544x1xi1> to vector<264x1xi1>
    %and3A_56 = arith.andi %and3A_54, %slice3A_55 : vector<264x1xi1>
    %slice3A_57 = vector.extract_strided_slice %broadcast_in_dim3A {offsets = [5016, 0], sizes = [264, 1], strides = [1, 1]} : vector<5544x1xi1> to vector<264x1xi1>
    %and3A_58 = arith.andi %and3A_56, %slice3A_57 : vector<264x1xi1>
    %slice3A_59 = vector.extract_strided_slice %broadcast_in_dim3A {offsets = [5280, 0], sizes = [264, 1], strides = [1, 1]} : vector<5544x1xi1> to vector<264x1xi1>
    %and3A_60 = arith.andi %and3A_58, %slice3A_59 : vector<264x1xi1>
    %convert_element_type3A = arith.extui %and3A_60 : vector<264x1xi1> to vector<264x1xi32>
    %reduce_sum3A = vector.shape_cast %convert_element_type3A : vector<264x1xi32> to vector<1x264x1xi32>
    %reduce_sum3A_61 = arith.constant dense<0> : vector<1xi32>
    %reduce_sum3A_62 = vector.multi_reduction <add>, %reduce_sum3A, %reduce_sum3A_61 [1, 2] : vector<1x264x1xi32> to vector<1xi32>
    %reduce_sum3A_63 = vector.shape_cast %reduce_sum3A_62 : vector<1xi32> to vector<1x1x1xi32>
    %reduce_sum3A_64 = vector.extract %reduce_sum3A_63[0, 0, 0] : i32 from vector<1x1x1xi32>
    %slice3A_65 = vector.extract_strided_slice %get3A_3 {offsets = [0, 3], sizes = [5544, 3], strides = [1, 1]} : vector<5544x6xf32> to vector<5544x3xf32>
    %ne3A_66 = arith.constant 0.000000e+00 : f32
    %ne3A_67 = vector.broadcast %ne3A_66 : f32 to vector<5544x3xf32>
    %ne3A_68 = arith.cmpf one, %slice3A_65, %ne3A_67 : vector<5544x3xf32>
    %reduce_and3A_69 = arith.constant 1.000000e+00 : f32
    %reduce_and3A_70 = arith.constant 0.000000e+00 : f32
    %reduce_and3A_71 = vector.broadcast %reduce_and3A_69 : f32 to vector<5544x3xf32>
    %reduce_and3A_72 = vector.broadcast %reduce_and3A_70 : f32 to vector<5544x3xf32>
    %reduce_and3A_73 = arith.select %ne3A_68, %reduce_and3A_71, %reduce_and3A_72 : vector<5544x3xi1>, vector<5544x3xf32>
    %reduce_and3A_74 = arith.constant dense<0x7F800000> : vector<5544xf32>
    %reduce_and3A_75 = vector.multi_reduction <minimumf>, %reduce_and3A_73, %reduce_and3A_74 [1] : vector<5544x3xf32> to vector<5544xf32>
    %reduce_and3A_76 = arith.constant 0.000000e+00 : f32
    %reduce_and3A_77 = vector.broadcast %reduce_and3A_76 : f32 to vector<5544xf32>
    %reduce_and3A_78 = arith.cmpf ogt, %reduce_and3A_75, %reduce_and3A_77 : vector<5544xf32>
    %broadcast_in_dim3A_79 = vector.shape_cast %reduce_and3A_78 : vector<5544xi1> to vector<5544x1xi1>
    %slice3A_80 = vector.extract_strided_slice %broadcast_in_dim3A_79 {offsets = [0, 0], sizes = [264, 1], strides = [1, 1]} : vector<5544x1xi1> to vector<264x1xi1>
    %slice3A_81 = vector.extract_strided_slice %broadcast_in_dim3A_79 {offsets = [264, 0], sizes = [264, 1], strides = [1, 1]} : vector<5544x1xi1> to vector<264x1xi1>
    %and3A_82 = arith.andi %slice3A_80, %slice3A_81 : vector<264x1xi1>
    %slice3A_83 = vector.extract_strided_slice %broadcast_in_dim3A_79 {offsets = [528, 0], sizes = [264, 1], strides = [1, 1]} : vector<5544x1xi1> to vector<264x1xi1>
    %and3A_84 = arith.andi %and3A_82, %slice3A_83 : vector<264x1xi1>
    %slice3A_85 = vector.extract_strided_slice %broadcast_in_dim3A_79 {offsets = [792, 0], sizes = [264, 1], strides = [1, 1]} : vector<5544x1xi1> to vector<264x1xi1>
    %and3A_86 = arith.andi %and3A_84, %slice3A_85 : vector<264x1xi1>
    %slice3A_87 = vector.extract_strided_slice %broadcast_in_dim3A_79 {offsets = [1056, 0], sizes = [264, 1], strides = [1, 1]} : vector<5544x1xi1> to vector<264x1xi1>
    %and3A_88 = arith.andi %and3A_86, %slice3A_87 : vector<264x1xi1>
    %slice3A_89 = vector.extract_strided_slice %broadcast_in_dim3A_79 {offsets = [1320, 0], sizes = [264, 1], strides = [1, 1]} : vector<5544x1xi1> to vector<264x1xi1>
    %and3A_90 = arith.andi %and3A_88, %slice3A_89 : vector<264x1xi1>
    %slice3A_91 = vector.extract_strided_slice %broadcast_in_dim3A_79 {offsets = [1584, 0], sizes = [264, 1], strides = [1, 1]} : vector<5544x1xi1> to vector<264x1xi1>
    %and3A_92 = arith.andi %and3A_90, %slice3A_91 : vector<264x1xi1>
    %slice3A_93 = vector.extract_strided_slice %broadcast_in_dim3A_79 {offsets = [1848, 0], sizes = [264, 1], strides = [1, 1]} : vector<5544x1xi1> to vector<264x1xi1>
    %and3A_94 = arith.andi %and3A_92, %slice3A_93 : vector<264x1xi1>
    %slice3A_95 = vector.extract_strided_slice %broadcast_in_dim3A_79 {offsets = [2112, 0], sizes = [264, 1], strides = [1, 1]} : vector<5544x1xi1> to vector<264x1xi1>
    %and3A_96 = arith.andi %and3A_94, %slice3A_95 : vector<264x1xi1>
    %slice3A_97 = vector.extract_strided_slice %broadcast_in_dim3A_79 {offsets = [2376, 0], sizes = [264, 1], strides = [1, 1]} : vector<5544x1xi1> to vector<264x1xi1>
    %and3A_98 = arith.andi %and3A_96, %slice3A_97 : vector<264x1xi1>
    %slice3A_99 = vector.extract_strided_slice %broadcast_in_dim3A_79 {offsets = [2640, 0], sizes = [264, 1], strides = [1, 1]} : vector<5544x1xi1> to vector<264x1xi1>
    %and3A_100 = arith.andi %and3A_98, %slice3A_99 : vector<264x1xi1>
    %slice3A_101 = vector.extract_strided_slice %broadcast_in_dim3A_79 {offsets = [2904, 0], sizes = [264, 1], strides = [1, 1]} : vector<5544x1xi1> to vector<264x1xi1>
    %and3A_102 = arith.andi %and3A_100, %slice3A_101 : vector<264x1xi1>
    %slice3A_103 = vector.extract_strided_slice %broadcast_in_dim3A_79 {offsets = [3168, 0], sizes = [264, 1], strides = [1, 1]} : vector<5544x1xi1> to vector<264x1xi1>
    %and3A_104 = arith.andi %and3A_102, %slice3A_103 : vector<264x1xi1>
    %slice3A_105 = vector.extract_strided_slice %broadcast_in_dim3A_79 {offsets = [3432, 0], sizes = [264, 1], strides = [1, 1]} : vector<5544x1xi1> to vector<264x1xi1>
    %and3A_106 = arith.andi %and3A_104, %slice3A_105 : vector<264x1xi1>
    %slice3A_107 = vector.extract_strided_slice %broadcast_in_dim3A_79 {offsets = [3696, 0], sizes = [264, 1], strides = [1, 1]} : vector<5544x1xi1> to vector<264x1xi1>
    %and3A_108 = arith.andi %and3A_106, %slice3A_107 : vector<264x1xi1>
    %slice3A_109 = vector.extract_strided_slice %broadcast_in_dim3A_79 {offsets = [3960, 0], sizes = [264, 1], strides = [1, 1]} : vector<5544x1xi1> to vector<264x1xi1>
    %and3A_110 = arith.andi %and3A_108, %slice3A_109 : vector<264x1xi1>
    %slice3A_111 = vector.extract_strided_slice %broadcast_in_dim3A_79 {offsets = [4224, 0], sizes = [264, 1], strides = [1, 1]} : vector<5544x1xi1> to vector<264x1xi1>
    %and3A_112 = arith.andi %and3A_110, %slice3A_111 : vector<264x1xi1>
    %slice3A_113 = vector.extract_strided_slice %broadcast_in_dim3A_79 {offsets = [4488, 0], sizes = [264, 1], strides = [1, 1]} : vector<5544x1xi1> to vector<264x1xi1>
    %and3A_114 = arith.andi %and3A_112, %slice3A_113 : vector<264x1xi1>
    %slice3A_115 = vector.extract_strided_slice %broadcast_in_dim3A_79 {offsets = [4752, 0], sizes = [264, 1], strides = [1, 1]} : vector<5544x1xi1> to vector<264x1xi1>
    %and3A_116 = arith.andi %and3A_114, %slice3A_115 : vector<264x1xi1>
    %slice3A_117 = vector.extract_strided_slice %broadcast_in_dim3A_79 {offsets = [5016, 0], sizes = [264, 1], strides = [1, 1]} : vector<5544x1xi1> to vector<264x1xi1>
    %and3A_118 = arith.andi %and3A_116, %slice3A_117 : vector<264x1xi1>
    %slice3A_119 = vector.extract_strided_slice %broadcast_in_dim3A_79 {offsets = [5280, 0], sizes = [264, 1], strides = [1, 1]} : vector<5544x1xi1> to vector<264x1xi1>
    %and3A_120 = arith.andi %and3A_118, %slice3A_119 : vector<264x1xi1>
    %convert_element_type3A_121 = arith.extui %and3A_120 : vector<264x1xi1> to vector<264x1xi32>
    %reduce_sum3A_122 = vector.shape_cast %convert_element_type3A_121 : vector<264x1xi32> to vector<1x264x1xi32>
    %reduce_sum3A_123 = arith.constant dense<0> : vector<1xi32>
    %reduce_sum3A_124 = vector.multi_reduction <add>, %reduce_sum3A_122, %reduce_sum3A_123 [1, 2] : vector<1x264x1xi32> to vector<1xi32>
    %reduce_sum3A_125 = vector.shape_cast %reduce_sum3A_124 : vector<1xi32> to vector<1x1x1xi32>
    %reduce_sum3A_126 = vector.extract %reduce_sum3A_125[0, 0, 0] : i32 from vector<1x1x1xi32>
    %get3A_127 = arith.constant 0 : index
    %get3A_128 = arith.constant 0 : index
    %get3A_129 = vector.load %arg6[%get3A_127, %get3A_128] : memref<6x128xf32, #tpu.memory_space<vmem>>, vector<6x128xf32>
    %dot_general3A = arith.constant dense<0.000000e+00> : vector<5544x128xf32>
    %dot_general3A_130 = tpu.matmul %get3A_3, %get3A_129, %dot_general3A {dimension_numbers = #tpu.dot_dimension_numbers<[1], [0], [0], [1], [0, 0, 1, 1], [], []>, transpose_lhs_hint = false} : vector<5544x6xf32>, vector<6x128xf32>, vector<5544x128xf32> -> vector<5544x128xf32>
    %get3A_131 = arith.constant 0 : index
    %get3A_132 = arith.constant 0 : index
    %get3A_133 = vector.load %arg4[%get3A_131, %get3A_132] : memref<6x384xf32, #tpu.memory_space<vmem>>, vector<6x384xf32>
    %dot_general3A_134 = arith.constant dense<0.000000e+00> : vector<5544x384xf32>
    %dot_general3A_135 = tpu.matmul %get3A_3, %get3A_133, %dot_general3A_134 {dimension_numbers = #tpu.dot_dimension_numbers<[1], [0], [0], [1], [0, 0, 1, 1], [], []>, transpose_lhs_hint = false} : vector<5544x6xf32>, vector<6x384xf32>, vector<5544x384xf32> -> vector<5544x384xf32>
    %slice3A_136 = vector.extract_strided_slice %dot_general3A_135 {offsets = [0, 0], sizes = [5544, 128], strides = [1, 1]} : vector<5544x384xf32> to vector<5544x128xf32>
    %slice3A_137 = vector.extract_strided_slice %dot_general3A_135 {offsets = [0, 128], sizes = [5544, 128], strides = [1, 1]} : vector<5544x384xf32> to vector<5544x128xf32>
    %slice3A_138 = vector.extract_strided_slice %dot_general3A_135 {offsets = [0, 256], sizes = [5544, 128], strides = [1, 1]} : vector<5544x384xf32> to vector<5544x128xf32>
    %slice3A_139 = vector.extract_strided_slice %slice3A_136 {offsets = [0, 0], sizes = [264, 128], strides = [1, 1]} : vector<5544x128xf32> to vector<264x128xf32>
    %mul3A = arith.constant 0.166666672 : f32
    %mul3A_140 = vector.broadcast %mul3A : f32 to vector<264x128xf32>
    %mul3A_141 = arith.mulf %mul3A_140, %slice3A_139 : vector<264x128xf32>
    %slice3A_142 = vector.extract_strided_slice %slice3A_137 {offsets = [264, 0], sizes = [264, 128], strides = [1, 1]} : vector<5544x128xf32> to vector<264x128xf32>
    %mul3A_143 = arith.constant 0.166666672 : f32
    %mul3A_144 = vector.broadcast %mul3A_143 : f32 to vector<264x128xf32>
    %mul3A_145 = arith.mulf %mul3A_144, %slice3A_142 : vector<264x128xf32>
    %add3A = arith.addf %mul3A_141, %mul3A_145 : vector<264x128xf32>
    %slice3A_146 = vector.extract_strided_slice %slice3A_137 {offsets = [1320, 0], sizes = [264, 128], strides = [1, 1]} : vector<5544x128xf32> to vector<264x128xf32>
    %mul3A_147 = arith.constant 0.166666672 : f32
    %mul3A_148 = vector.broadcast %mul3A_147 : f32 to vector<264x128xf32>
    %mul3A_149 = arith.mulf %mul3A_148, %slice3A_146 : vector<264x128xf32>
    %add3A_150 = arith.addf %add3A, %mul3A_149 : vector<264x128xf32>
    %slice3A_151 = vector.extract_strided_slice %slice3A_137 {offsets = [2376, 0], sizes = [264, 128], strides = [1, 1]} : vector<5544x128xf32> to vector<264x128xf32>
    %mul3A_152 = arith.constant 0.166666672 : f32
    %mul3A_153 = vector.broadcast %mul3A_152 : f32 to vector<264x128xf32>
    %mul3A_154 = arith.mulf %mul3A_153, %slice3A_151 : vector<264x128xf32>
    %add3A_155 = arith.addf %add3A_150, %mul3A_154 : vector<264x128xf32>
    %slice3A_156 = vector.extract_strided_slice %slice3A_137 {offsets = [3432, 0], sizes = [264, 128], strides = [1, 1]} : vector<5544x128xf32> to vector<264x128xf32>
    %mul3A_157 = arith.constant 0.166666672 : f32
    %mul3A_158 = vector.broadcast %mul3A_157 : f32 to vector<264x128xf32>
    %mul3A_159 = arith.mulf %mul3A_158, %slice3A_156 : vector<264x128xf32>
    %add3A_160 = arith.addf %add3A_155, %mul3A_159 : vector<264x128xf32>
    %slice3A_161 = vector.extract_strided_slice %slice3A_137 {offsets = [4488, 0], sizes = [264, 128], strides = [1, 1]} : vector<5544x128xf32> to vector<264x128xf32>
    %mul3A_162 = arith.constant 0.166666672 : f32
    %mul3A_163 = vector.broadcast %mul3A_162 : f32 to vector<264x128xf32>
    %mul3A_164 = arith.mulf %mul3A_163, %slice3A_161 : vector<264x128xf32>
    %add3A_165 = arith.addf %add3A_160, %mul3A_164 : vector<264x128xf32>
    %slice3A_166 = vector.extract_strided_slice %slice3A_136 {offsets = [264, 0], sizes = [264, 128], strides = [1, 1]} : vector<5544x128xf32> to vector<264x128xf32>
    %mul3A_167 = arith.constant 0.333333343 : f32
    %mul3A_168 = vector.broadcast %mul3A_167 : f32 to vector<264x128xf32>
    %mul3A_169 = arith.mulf %mul3A_168, %slice3A_166 : vector<264x128xf32>
    %slice3A_170 = vector.extract_strided_slice %slice3A_137 {offsets = [528, 0], sizes = [264, 128], strides = [1, 1]} : vector<5544x128xf32> to vector<264x128xf32>
    %mul3A_171 = arith.constant 0.333333343 : f32
    %mul3A_172 = vector.broadcast %mul3A_171 : f32 to vector<264x128xf32>
    %mul3A_173 = arith.mulf %mul3A_172, %slice3A_170 : vector<264x128xf32>
    %add3A_174 = arith.addf %mul3A_169, %mul3A_173 : vector<264x128xf32>
    %slice3A_175 = vector.extract_strided_slice %slice3A_138 {offsets = [0, 0], sizes = [264, 128], strides = [1, 1]} : vector<5544x128xf32> to vector<264x128xf32>
    %mul3A_176 = arith.constant 0.333333343 : f32
    %mul3A_177 = vector.broadcast %mul3A_176 : f32 to vector<264x128xf32>
    %mul3A_178 = arith.mulf %mul3A_177, %slice3A_175 : vector<264x128xf32>
    %add3A_179 = arith.addf %add3A_174, %mul3A_178 : vector<264x128xf32>
    %slice3A_180 = vector.extract_strided_slice %slice3A_136 {offsets = [528, 0], sizes = [264, 128], strides = [1, 1]} : vector<5544x128xf32> to vector<264x128xf32>
    %mul3A_181 = arith.constant 0.333333343 : f32
    %mul3A_182 = vector.broadcast %mul3A_181 : f32 to vector<264x128xf32>
    %mul3A_183 = arith.mulf %mul3A_182, %slice3A_180 : vector<264x128xf32>
    %slice3A_184 = vector.extract_strided_slice %slice3A_137 {offsets = [792, 0], sizes = [264, 128], strides = [1, 1]} : vector<5544x128xf32> to vector<264x128xf32>
    %mul3A_185 = arith.constant 0.333333343 : f32
    %mul3A_186 = vector.broadcast %mul3A_185 : f32 to vector<264x128xf32>
    %mul3A_187 = arith.mulf %mul3A_186, %slice3A_184 : vector<264x128xf32>
    %add3A_188 = arith.addf %mul3A_183, %mul3A_187 : vector<264x128xf32>
    %slice3A_189 = vector.extract_strided_slice %slice3A_138 {offsets = [264, 0], sizes = [264, 128], strides = [1, 1]} : vector<5544x128xf32> to vector<264x128xf32>
    %mul3A_190 = arith.constant 0.333333343 : f32
    %mul3A_191 = vector.broadcast %mul3A_190 : f32 to vector<264x128xf32>
    %mul3A_192 = arith.mulf %mul3A_191, %slice3A_189 : vector<264x128xf32>
    %add3A_193 = arith.addf %add3A_188, %mul3A_192 : vector<264x128xf32>
    %slice3A_194 = vector.extract_strided_slice %slice3A_136 {offsets = [792, 0], sizes = [264, 128], strides = [1, 1]} : vector<5544x128xf32> to vector<264x128xf32>
    %mul3A_195 = arith.constant 0.333333343 : f32
    %mul3A_196 = vector.broadcast %mul3A_195 : f32 to vector<264x128xf32>
    %mul3A_197 = arith.mulf %mul3A_196, %slice3A_194 : vector<264x128xf32>
    %slice3A_198 = vector.extract_strided_slice %slice3A_137 {offsets = [1056, 0], sizes = [264, 128], strides = [1, 1]} : vector<5544x128xf32> to vector<264x128xf32>
    %mul3A_199 = arith.constant 0.333333343 : f32
    %mul3A_200 = vector.broadcast %mul3A_199 : f32 to vector<264x128xf32>
    %mul3A_201 = arith.mulf %mul3A_200, %slice3A_198 : vector<264x128xf32>
    %add3A_202 = arith.addf %mul3A_197, %mul3A_201 : vector<264x128xf32>
    %slice3A_203 = vector.extract_strided_slice %slice3A_138 {offsets = [528, 0], sizes = [264, 128], strides = [1, 1]} : vector<5544x128xf32> to vector<264x128xf32>
    %mul3A_204 = arith.constant 0.333333343 : f32
    %mul3A_205 = vector.broadcast %mul3A_204 : f32 to vector<264x128xf32>
    %mul3A_206 = arith.mulf %mul3A_205, %slice3A_203 : vector<264x128xf32>
    %add3A_207 = arith.addf %add3A_202, %mul3A_206 : vector<264x128xf32>
    %slice3A_208 = vector.extract_strided_slice %slice3A_136 {offsets = [1056, 0], sizes = [264, 128], strides = [1, 1]} : vector<5544x128xf32> to vector<264x128xf32>
    %mul3A_209 = arith.constant 5.000000e-01 : f32
    %mul3A_210 = vector.broadcast %mul3A_209 : f32 to vector<264x128xf32>
    %mul3A_211 = arith.mulf %mul3A_210, %slice3A_208 : vector<264x128xf32>
    %slice3A_212 = vector.extract_strided_slice %slice3A_138 {offsets = [792, 0], sizes = [264, 128], strides = [1, 1]} : vector<5544x128xf32> to vector<264x128xf32>
    %mul3A_213 = arith.constant 5.000000e-01 : f32
    %mul3A_214 = vector.broadcast %mul3A_213 : f32 to vector<264x128xf32>
    %mul3A_215 = arith.mulf %mul3A_214, %slice3A_212 : vector<264x128xf32>
    %add3A_216 = arith.addf %mul3A_211, %mul3A_215 : vector<264x128xf32>
    %slice3A_217 = vector.extract_strided_slice %slice3A_136 {offsets = [1320, 0], sizes = [264, 128], strides = [1, 1]} : vector<5544x128xf32> to vector<264x128xf32>
    %mul3A_218 = arith.constant 0.333333343 : f32
    %mul3A_219 = vector.broadcast %mul3A_218 : f32 to vector<264x128xf32>
    %mul3A_220 = arith.mulf %mul3A_219, %slice3A_217 : vector<264x128xf32>
    %slice3A_221 = vector.extract_strided_slice %slice3A_137 {offsets = [1584, 0], sizes = [264, 128], strides = [1, 1]} : vector<5544x128xf32> to vector<264x128xf32>
    %mul3A_222 = arith.constant 0.333333343 : f32
    %mul3A_223 = vector.broadcast %mul3A_222 : f32 to vector<264x128xf32>
    %mul3A_224 = arith.mulf %mul3A_223, %slice3A_221 : vector<264x128xf32>
    %add3A_225 = arith.addf %mul3A_220, %mul3A_224 : vector<264x128xf32>
    %slice3A_226 = vector.extract_strided_slice %slice3A_138 {offsets = [0, 0], sizes = [264, 128], strides = [1, 1]} : vector<5544x128xf32> to vector<264x128xf32>
    %mul3A_227 = arith.constant 0.333333343 : f32
    %mul3A_228 = vector.broadcast %mul3A_227 : f32 to vector<264x128xf32>
    %mul3A_229 = arith.mulf %mul3A_228, %slice3A_226 : vector<264x128xf32>
    %add3A_230 = arith.addf %add3A_225, %mul3A_229 : vector<264x128xf32>
    %slice3A_231 = vector.extract_strided_slice %slice3A_136 {offsets = [1584, 0], sizes = [264, 128], strides = [1, 1]} : vector<5544x128xf32> to vector<264x128xf32>
    %mul3A_232 = arith.constant 0.333333343 : f32
    %mul3A_233 = vector.broadcast %mul3A_232 : f32 to vector<264x128xf32>
    %mul3A_234 = arith.mulf %mul3A_233, %slice3A_231 : vector<264x128xf32>
    %slice3A_235 = vector.extract_strided_slice %slice3A_137 {offsets = [1848, 0], sizes = [264, 128], strides = [1, 1]} : vector<5544x128xf32> to vector<264x128xf32>
    %mul3A_236 = arith.constant 0.333333343 : f32
    %mul3A_237 = vector.broadcast %mul3A_236 : f32 to vector<264x128xf32>
    %mul3A_238 = arith.mulf %mul3A_237, %slice3A_235 : vector<264x128xf32>
    %add3A_239 = arith.addf %mul3A_234, %mul3A_238 : vector<264x128xf32>
    %slice3A_240 = vector.extract_strided_slice %slice3A_138 {offsets = [1320, 0], sizes = [264, 128], strides = [1, 1]} : vector<5544x128xf32> to vector<264x128xf32>
    %mul3A_241 = arith.constant 0.333333343 : f32
    %mul3A_242 = vector.broadcast %mul3A_241 : f32 to vector<264x128xf32>
    %mul3A_243 = arith.mulf %mul3A_242, %slice3A_240 : vector<264x128xf32>
    %add3A_244 = arith.addf %add3A_239, %mul3A_243 : vector<264x128xf32>
    %slice3A_245 = vector.extract_strided_slice %slice3A_136 {offsets = [1848, 0], sizes = [264, 128], strides = [1, 1]} : vector<5544x128xf32> to vector<264x128xf32>
    %mul3A_246 = arith.constant 0.333333343 : f32
    %mul3A_247 = vector.broadcast %mul3A_246 : f32 to vector<264x128xf32>
    %mul3A_248 = arith.mulf %mul3A_247, %slice3A_245 : vector<264x128xf32>
    %slice3A_249 = vector.extract_strided_slice %slice3A_137 {offsets = [2112, 0], sizes = [264, 128], strides = [1, 1]} : vector<5544x128xf32> to vector<264x128xf32>
    %mul3A_250 = arith.constant 0.333333343 : f32
    %mul3A_251 = vector.broadcast %mul3A_250 : f32 to vector<264x128xf32>
    %mul3A_252 = arith.mulf %mul3A_251, %slice3A_249 : vector<264x128xf32>
    %add3A_253 = arith.addf %mul3A_248, %mul3A_252 : vector<264x128xf32>
    %slice3A_254 = vector.extract_strided_slice %slice3A_138 {offsets = [1584, 0], sizes = [264, 128], strides = [1, 1]} : vector<5544x128xf32> to vector<264x128xf32>
    %mul3A_255 = arith.constant 0.333333343 : f32
    %mul3A_256 = vector.broadcast %mul3A_255 : f32 to vector<264x128xf32>
    %mul3A_257 = arith.mulf %mul3A_256, %slice3A_254 : vector<264x128xf32>
    %add3A_258 = arith.addf %add3A_253, %mul3A_257 : vector<264x128xf32>
    %slice3A_259 = vector.extract_strided_slice %slice3A_136 {offsets = [2112, 0], sizes = [264, 128], strides = [1, 1]} : vector<5544x128xf32> to vector<264x128xf32>
    %mul3A_260 = arith.constant 5.000000e-01 : f32
    %mul3A_261 = vector.broadcast %mul3A_260 : f32 to vector<264x128xf32>
    %mul3A_262 = arith.mulf %mul3A_261, %slice3A_259 : vector<264x128xf32>
    %slice3A_263 = vector.extract_strided_slice %slice3A_138 {offsets = [1848, 0], sizes = [264, 128], strides = [1, 1]} : vector<5544x128xf32> to vector<264x128xf32>
    %mul3A_264 = arith.constant 5.000000e-01 : f32
    %mul3A_265 = vector.broadcast %mul3A_264 : f32 to vector<264x128xf32>
    %mul3A_266 = arith.mulf %mul3A_265, %slice3A_263 : vector<264x128xf32>
    %add3A_267 = arith.addf %mul3A_262, %mul3A_266 : vector<264x128xf32>
    %slice3A_268 = vector.extract_strided_slice %slice3A_136 {offsets = [2376, 0], sizes = [264, 128], strides = [1, 1]} : vector<5544x128xf32> to vector<264x128xf32>
    %mul3A_269 = arith.constant 0.333333343 : f32
    %mul3A_270 = vector.broadcast %mul3A_269 : f32 to vector<264x128xf32>
    %mul3A_271 = arith.mulf %mul3A_270, %slice3A_268 : vector<264x128xf32>
    %slice3A_272 = vector.extract_strided_slice %slice3A_137 {offsets = [2640, 0], sizes = [264, 128], strides = [1, 1]} : vector<5544x128xf32> to vector<264x128xf32>
    %mul3A_273 = arith.constant 0.333333343 : f32
    %mul3A_274 = vector.broadcast %mul3A_273 : f32 to vector<264x128xf32>
    %mul3A_275 = arith.mulf %mul3A_274, %slice3A_272 : vector<264x128xf32>
    %add3A_276 = arith.addf %mul3A_271, %mul3A_275 : vector<264x128xf32>
    %slice3A_277 = vector.extract_strided_slice %slice3A_138 {offsets = [0, 0], sizes = [264, 128], strides = [1, 1]} : vector<5544x128xf32> to vector<264x128xf32>
    %mul3A_278 = arith.constant 0.333333343 : f32
    %mul3A_279 = vector.broadcast %mul3A_278 : f32 to vector<264x128xf32>
    %mul3A_280 = arith.mulf %mul3A_279, %slice3A_277 : vector<264x128xf32>
    %add3A_281 = arith.addf %add3A_276, %mul3A_280 : vector<264x128xf32>
    %slice3A_282 = vector.extract_strided_slice %slice3A_136 {offsets = [2640, 0], sizes = [264, 128], strides = [1, 1]} : vector<5544x128xf32> to vector<264x128xf32>
    %mul3A_283 = arith.constant 0.333333343 : f32
    %mul3A_284 = vector.broadcast %mul3A_283 : f32 to vector<264x128xf32>
    %mul3A_285 = arith.mulf %mul3A_284, %slice3A_282 : vector<264x128xf32>
    %slice3A_286 = vector.extract_strided_slice %slice3A_137 {offsets = [2904, 0], sizes = [264, 128], strides = [1, 1]} : vector<5544x128xf32> to vector<264x128xf32>
    %mul3A_287 = arith.constant 0.333333343 : f32
    %mul3A_288 = vector.broadcast %mul3A_287 : f32 to vector<264x128xf32>
    %mul3A_289 = arith.mulf %mul3A_288, %slice3A_286 : vector<264x128xf32>
    %add3A_290 = arith.addf %mul3A_285, %mul3A_289 : vector<264x128xf32>
    %slice3A_291 = vector.extract_strided_slice %slice3A_138 {offsets = [2376, 0], sizes = [264, 128], strides = [1, 1]} : vector<5544x128xf32> to vector<264x128xf32>
    %mul3A_292 = arith.constant 0.333333343 : f32
    %mul3A_293 = vector.broadcast %mul3A_292 : f32 to vector<264x128xf32>
    %mul3A_294 = arith.mulf %mul3A_293, %slice3A_291 : vector<264x128xf32>
    %add3A_295 = arith.addf %add3A_290, %mul3A_294 : vector<264x128xf32>
    %slice3A_296 = vector.extract_strided_slice %slice3A_136 {offsets = [2904, 0], sizes = [264, 128], strides = [1, 1]} : vector<5544x128xf32> to vector<264x128xf32>
    %mul3A_297 = arith.constant 0.333333343 : f32
    %mul3A_298 = vector.broadcast %mul3A_297 : f32 to vector<264x128xf32>
    %mul3A_299 = arith.mulf %mul3A_298, %slice3A_296 : vector<264x128xf32>
    %slice3A_300 = vector.extract_strided_slice %slice3A_137 {offsets = [3168, 0], sizes = [264, 128], strides = [1, 1]} : vector<5544x128xf32> to vector<264x128xf32>
    %mul3A_301 = arith.constant 0.333333343 : f32
    %mul3A_302 = vector.broadcast %mul3A_301 : f32 to vector<264x128xf32>
    %mul3A_303 = arith.mulf %mul3A_302, %slice3A_300 : vector<264x128xf32>
    %add3A_304 = arith.addf %mul3A_299, %mul3A_303 : vector<264x128xf32>
    %slice3A_305 = vector.extract_strided_slice %slice3A_138 {offsets = [2640, 0], sizes = [264, 128], strides = [1, 1]} : vector<5544x128xf32> to vector<264x128xf32>
    %mul3A_306 = arith.constant 0.333333343 : f32
    %mul3A_307 = vector.broadcast %mul3A_306 : f32 to vector<264x128xf32>
    %mul3A_308 = arith.mulf %mul3A_307, %slice3A_305 : vector<264x128xf32>
    %add3A_309 = arith.addf %add3A_304, %mul3A_308 : vector<264x128xf32>
    %slice3A_310 = vector.extract_strided_slice %slice3A_136 {offsets = [3168, 0], sizes = [264, 128], strides = [1, 1]} : vector<5544x128xf32> to vector<264x128xf32>
    %mul3A_311 = arith.constant 5.000000e-01 : f32
    %mul3A_312 = vector.broadcast %mul3A_311 : f32 to vector<264x128xf32>
    %mul3A_313 = arith.mulf %mul3A_312, %slice3A_310 : vector<264x128xf32>
    %slice3A_314 = vector.extract_strided_slice %slice3A_138 {offsets = [2904, 0], sizes = [264, 128], strides = [1, 1]} : vector<5544x128xf32> to vector<264x128xf32>
    %mul3A_315 = arith.constant 5.000000e-01 : f32
    %mul3A_316 = vector.broadcast %mul3A_315 : f32 to vector<264x128xf32>
    %mul3A_317 = arith.mulf %mul3A_316, %slice3A_314 : vector<264x128xf32>
    %add3A_318 = arith.addf %mul3A_313, %mul3A_317 : vector<264x128xf32>
    %slice3A_319 = vector.extract_strided_slice %slice3A_136 {offsets = [3432, 0], sizes = [264, 128], strides = [1, 1]} : vector<5544x128xf32> to vector<264x128xf32>
    %mul3A_320 = arith.constant 0.333333343 : f32
    %mul3A_321 = vector.broadcast %mul3A_320 : f32 to vector<264x128xf32>
    %mul3A_322 = arith.mulf %mul3A_321, %slice3A_319 : vector<264x128xf32>
    %slice3A_323 = vector.extract_strided_slice %slice3A_137 {offsets = [3696, 0], sizes = [264, 128], strides = [1, 1]} : vector<5544x128xf32> to vector<264x128xf32>
    %mul3A_324 = arith.constant 0.333333343 : f32
    %mul3A_325 = vector.broadcast %mul3A_324 : f32 to vector<264x128xf32>
    %mul3A_326 = arith.mulf %mul3A_325, %slice3A_323 : vector<264x128xf32>
    %add3A_327 = arith.addf %mul3A_322, %mul3A_326 : vector<264x128xf32>
    %slice3A_328 = vector.extract_strided_slice %slice3A_138 {offsets = [0, 0], sizes = [264, 128], strides = [1, 1]} : vector<5544x128xf32> to vector<264x128xf32>
    %mul3A_329 = arith.constant 0.333333343 : f32
    %mul3A_330 = vector.broadcast %mul3A_329 : f32 to vector<264x128xf32>
    %mul3A_331 = arith.mulf %mul3A_330, %slice3A_328 : vector<264x128xf32>
    %add3A_332 = arith.addf %add3A_327, %mul3A_331 : vector<264x128xf32>
    %slice3A_333 = vector.extract_strided_slice %slice3A_136 {offsets = [3696, 0], sizes = [264, 128], strides = [1, 1]} : vector<5544x128xf32> to vector<264x128xf32>
    %mul3A_334 = arith.constant 0.333333343 : f32
    %mul3A_335 = vector.broadcast %mul3A_334 : f32 to vector<264x128xf32>
    %mul3A_336 = arith.mulf %mul3A_335, %slice3A_333 : vector<264x128xf32>
    %slice3A_337 = vector.extract_strided_slice %slice3A_137 {offsets = [3960, 0], sizes = [264, 128], strides = [1, 1]} : vector<5544x128xf32> to vector<264x128xf32>
    %mul3A_338 = arith.constant 0.333333343 : f32
    %mul3A_339 = vector.broadcast %mul3A_338 : f32 to vector<264x128xf32>
    %mul3A_340 = arith.mulf %mul3A_339, %slice3A_337 : vector<264x128xf32>
    %add3A_341 = arith.addf %mul3A_336, %mul3A_340 : vector<264x128xf32>
    %slice3A_342 = vector.extract_strided_slice %slice3A_138 {offsets = [3432, 0], sizes = [264, 128], strides = [1, 1]} : vector<5544x128xf32> to vector<264x128xf32>
    %mul3A_343 = arith.constant 0.333333343 : f32
    %mul3A_344 = vector.broadcast %mul3A_343 : f32 to vector<264x128xf32>
    %mul3A_345 = arith.mulf %mul3A_344, %slice3A_342 : vector<264x128xf32>
    %add3A_346 = arith.addf %add3A_341, %mul3A_345 : vector<264x128xf32>
    %slice3A_347 = vector.extract_strided_slice %slice3A_136 {offsets = [3960, 0], sizes = [264, 128], strides = [1, 1]} : vector<5544x128xf32> to vector<264x128xf32>
    %mul3A_348 = arith.constant 0.333333343 : f32
    %mul3A_349 = vector.broadcast %mul3A_348 : f32 to vector<264x128xf32>
    %mul3A_350 = arith.mulf %mul3A_349, %slice3A_347 : vector<264x128xf32>
    %slice3A_351 = vector.extract_strided_slice %slice3A_137 {offsets = [4224, 0], sizes = [264, 128], strides = [1, 1]} : vector<5544x128xf32> to vector<264x128xf32>
    %mul3A_352 = arith.constant 0.333333343 : f32
    %mul3A_353 = vector.broadcast %mul3A_352 : f32 to vector<264x128xf32>
    %mul3A_354 = arith.mulf %mul3A_353, %slice3A_351 : vector<264x128xf32>
    %add3A_355 = arith.addf %mul3A_350, %mul3A_354 : vector<264x128xf32>
    %slice3A_356 = vector.extract_strided_slice %slice3A_138 {offsets = [3696, 0], sizes = [264, 128], strides = [1, 1]} : vector<5544x128xf32> to vector<264x128xf32>
    %mul3A_357 = arith.constant 0.333333343 : f32
    %mul3A_358 = vector.broadcast %mul3A_357 : f32 to vector<264x128xf32>
    %mul3A_359 = arith.mulf %mul3A_358, %slice3A_356 : vector<264x128xf32>
    %add3A_360 = arith.addf %add3A_355, %mul3A_359 : vector<264x128xf32>
    %slice3A_361 = vector.extract_strided_slice %slice3A_136 {offsets = [4224, 0], sizes = [264, 128], strides = [1, 1]} : vector<5544x128xf32> to vector<264x128xf32>
    %mul3A_362 = arith.constant 5.000000e-01 : f32
    %mul3A_363 = vector.broadcast %mul3A_362 : f32 to vector<264x128xf32>
    %mul3A_364 = arith.mulf %mul3A_363, %slice3A_361 : vector<264x128xf32>
    %slice3A_365 = vector.extract_strided_slice %slice3A_138 {offsets = [3960, 0], sizes = [264, 128], strides = [1, 1]} : vector<5544x128xf32> to vector<264x128xf32>
    %mul3A_366 = arith.constant 5.000000e-01 : f32
    %mul3A_367 = vector.broadcast %mul3A_366 : f32 to vector<264x128xf32>
    %mul3A_368 = arith.mulf %mul3A_367, %slice3A_365 : vector<264x128xf32>
    %add3A_369 = arith.addf %mul3A_364, %mul3A_368 : vector<264x128xf32>
    %slice3A_370 = vector.extract_strided_slice %slice3A_136 {offsets = [4488, 0], sizes = [264, 128], strides = [1, 1]} : vector<5544x128xf32> to vector<264x128xf32>
    %mul3A_371 = arith.constant 0.333333343 : f32
    %mul3A_372 = vector.broadcast %mul3A_371 : f32 to vector<264x128xf32>
    %mul3A_373 = arith.mulf %mul3A_372, %slice3A_370 : vector<264x128xf32>
    %slice3A_374 = vector.extract_strided_slice %slice3A_137 {offsets = [4752, 0], sizes = [264, 128], strides = [1, 1]} : vector<5544x128xf32> to vector<264x128xf32>
    %mul3A_375 = arith.constant 0.333333343 : f32
    %mul3A_376 = vector.broadcast %mul3A_375 : f32 to vector<264x128xf32>
    %mul3A_377 = arith.mulf %mul3A_376, %slice3A_374 : vector<264x128xf32>
    %add3A_378 = arith.addf %mul3A_373, %mul3A_377 : vector<264x128xf32>
    %slice3A_379 = vector.extract_strided_slice %slice3A_138 {offsets = [0, 0], sizes = [264, 128], strides = [1, 1]} : vector<5544x128xf32> to vector<264x128xf32>
    %mul3A_380 = arith.constant 0.333333343 : f32
    %mul3A_381 = vector.broadcast %mul3A_380 : f32 to vector<264x128xf32>
    %mul3A_382 = arith.mulf %mul3A_381, %slice3A_379 : vector<264x128xf32>
    %add3A_383 = arith.addf %add3A_378, %mul3A_382 : vector<264x128xf32>
    %slice3A_384 = vector.extract_strided_slice %slice3A_136 {offsets = [4752, 0], sizes = [264, 128], strides = [1, 1]} : vector<5544x128xf32> to vector<264x128xf32>
    %mul3A_385 = arith.constant 0.333333343 : f32
    %mul3A_386 = vector.broadcast %mul3A_385 : f32 to vector<264x128xf32>
    %mul3A_387 = arith.mulf %mul3A_386, %slice3A_384 : vector<264x128xf32>
    %slice3A_388 = vector.extract_strided_slice %slice3A_137 {offsets = [5016, 0], sizes = [264, 128], strides = [1, 1]} : vector<5544x128xf32> to vector<264x128xf32>
    %mul3A_389 = arith.constant 0.333333343 : f32
    %mul3A_390 = vector.broadcast %mul3A_389 : f32 to vector<264x128xf32>
    %mul3A_391 = arith.mulf %mul3A_390, %slice3A_388 : vector<264x128xf32>
    %add3A_392 = arith.addf %mul3A_387, %mul3A_391 : vector<264x128xf32>
    %slice3A_393 = vector.extract_strided_slice %slice3A_138 {offsets = [4488, 0], sizes = [264, 128], strides = [1, 1]} : vector<5544x128xf32> to vector<264x128xf32>
    %mul3A_394 = arith.constant 0.333333343 : f32
    %mul3A_395 = vector.broadcast %mul3A_394 : f32 to vector<264x128xf32>
    %mul3A_396 = arith.mulf %mul3A_395, %slice3A_393 : vector<264x128xf32>
    %add3A_397 = arith.addf %add3A_392, %mul3A_396 : vector<264x128xf32>
    %slice3A_398 = vector.extract_strided_slice %slice3A_136 {offsets = [5016, 0], sizes = [264, 128], strides = [1, 1]} : vector<5544x128xf32> to vector<264x128xf32>
    %mul3A_399 = arith.constant 0.333333343 : f32
    %mul3A_400 = vector.broadcast %mul3A_399 : f32 to vector<264x128xf32>
    %mul3A_401 = arith.mulf %mul3A_400, %slice3A_398 : vector<264x128xf32>
    %slice3A_402 = vector.extract_strided_slice %slice3A_137 {offsets = [5280, 0], sizes = [264, 128], strides = [1, 1]} : vector<5544x128xf32> to vector<264x128xf32>
    %mul3A_403 = arith.constant 0.333333343 : f32
    %mul3A_404 = vector.broadcast %mul3A_403 : f32 to vector<264x128xf32>
    %mul3A_405 = arith.mulf %mul3A_404, %slice3A_402 : vector<264x128xf32>
    %add3A_406 = arith.addf %mul3A_401, %mul3A_405 : vector<264x128xf32>
    %slice3A_407 = vector.extract_strided_slice %slice3A_138 {offsets = [4752, 0], sizes = [264, 128], strides = [1, 1]} : vector<5544x128xf32> to vector<264x128xf32>
    %mul3A_408 = arith.constant 0.333333343 : f32
    %mul3A_409 = vector.broadcast %mul3A_408 : f32 to vector<264x128xf32>
    %mul3A_410 = arith.mulf %mul3A_409, %slice3A_407 : vector<264x128xf32>
    %add3A_411 = arith.addf %add3A_406, %mul3A_410 : vector<264x128xf32>
    %slice3A_412 = vector.extract_strided_slice %slice3A_136 {offsets = [5280, 0], sizes = [264, 128], strides = [1, 1]} : vector<5544x128xf32> to vector<264x128xf32>
    %mul3A_413 = arith.constant 5.000000e-01 : f32
    %mul3A_414 = vector.broadcast %mul3A_413 : f32 to vector<264x128xf32>
    %mul3A_415 = arith.mulf %mul3A_414, %slice3A_412 : vector<264x128xf32>
    %slice3A_416 = vector.extract_strided_slice %slice3A_138 {offsets = [5016, 0], sizes = [264, 128], strides = [1, 1]} : vector<5544x128xf32> to vector<264x128xf32>
    %mul3A_417 = arith.constant 5.000000e-01 : f32
    %mul3A_418 = vector.broadcast %mul3A_417 : f32 to vector<264x128xf32>
    %mul3A_419 = arith.mulf %mul3A_418, %slice3A_416 : vector<264x128xf32>
    %add3A_420 = arith.addf %mul3A_415, %mul3A_419 : vector<264x128xf32>
    %concatenate3A = tpu.concatenate %add3A_165, %add3A_179, %add3A_193, %add3A_207, %add3A_216, %add3A_230, %add3A_244, %add3A_258, %add3A_267, %add3A_281, %add3A_295, %add3A_309, %add3A_318, %add3A_332, %add3A_346, %add3A_360, %add3A_369, %add3A_383, %add3A_397, %add3A_411, %add3A_420 in 0 : vector<264x128xf32>, vector<264x128xf32>, vector<264x128xf32>, vector<264x128xf32>, vector<264x128xf32>, vector<264x128xf32>, vector<264x128xf32>, vector<264x128xf32>, vector<264x128xf32>, vector<264x128xf32>, vector<264x128xf32>, vector<264x128xf32>, vector<264x128xf32>, vector<264x128xf32>, vector<264x128xf32>, vector<264x128xf32>, vector<264x128xf32>, vector<264x128xf32>, vector<264x128xf32>, vector<264x128xf32>, vector<264x128xf32> -> vector<5544x128xf32>
    %slice3A_421 = vector.extract_strided_slice %concatenate3A {offsets = [0, 0], sizes = [5536, 128], strides = [1, 1]} : vector<5544x128xf32> to vector<5536x128xf32>
    %slice3A_422 = vector.extract_strided_slice %concatenate3A {offsets = [1, 0], sizes = [5536, 128], strides = [1, 1]} : vector<5544x128xf32> to vector<5536x128xf32>
    %slice3A_423 = vector.extract_strided_slice %concatenate3A {offsets = [2, 0], sizes = [5536, 128], strides = [1, 1]} : vector<5544x128xf32> to vector<5536x128xf32>
    %slice3A_424 = vector.extract_strided_slice %concatenate3A {offsets = [3, 0], sizes = [5536, 128], strides = [1, 1]} : vector<5544x128xf32> to vector<5536x128xf32>
    %slice3A_425 = vector.extract_strided_slice %concatenate3A {offsets = [4, 0], sizes = [5536, 128], strides = [1, 1]} : vector<5544x128xf32> to vector<5536x128xf32>
    %slice3A_426 = vector.extract_strided_slice %concatenate3A {offsets = [5, 0], sizes = [5536, 128], strides = [1, 1]} : vector<5544x128xf32> to vector<5536x128xf32>
    %slice3A_427 = vector.extract_strided_slice %concatenate3A {offsets = [6, 0], sizes = [5536, 128], strides = [1, 1]} : vector<5544x128xf32> to vector<5536x128xf32>
    %slice3A_428 = vector.extract_strided_slice %concatenate3A {offsets = [7, 0], sizes = [5536, 128], strides = [1, 1]} : vector<5544x128xf32> to vector<5536x128xf32>
    %slice3A_429 = vector.extract_strided_slice %concatenate3A {offsets = [8, 0], sizes = [5536, 128], strides = [1, 1]} : vector<5544x128xf32> to vector<5536x128xf32>
    %concatenate3A_430 = tpu.concatenate %slice3A_421, %slice3A_422, %slice3A_423, %slice3A_424, %slice3A_425, %slice3A_426, %slice3A_427, %slice3A_428, %slice3A_429 in 1 : vector<5536x128xf32>, vector<5536x128xf32>, vector<5536x128xf32>, vector<5536x128xf32>, vector<5536x128xf32>, vector<5536x128xf32>, vector<5536x128xf32>, vector<5536x128xf32>, vector<5536x128xf32> -> vector<5536x1152xf32>
    %get3A_431 = arith.constant 0 : index
    %get3A_432 = arith.constant 0 : index
    %get3A_433 = vector.load %arg5[%get3A_431, %get3A_432] : memref<1152x128xf32, #tpu.memory_space<vmem>>, vector<1152x128xf32>
    %dot_general3A_434 = arith.constant dense<0.000000e+00> : vector<5536x128xf32>
    %dot_general3A_435 = tpu.matmul %concatenate3A_430, %get3A_433, %dot_general3A_434 {dimension_numbers = #tpu.dot_dimension_numbers<[1], [0], [0], [1], [0, 0, 1, 1], [], []>, transpose_lhs_hint = false} : vector<5536x1152xf32>, vector<1152x128xf32>, vector<5536x128xf32> -> vector<5536x128xf32>
    %broadcast_in_dim3A_436 = arith.constant 0.000000e+00 : f32
    %broadcast_in_dim3A_437 = vector.broadcast %broadcast_in_dim3A_436 : f32 to vector<4x128xf32>
    %broadcast_in_dim3A_438 = arith.constant 0.000000e+00 : f32
    %broadcast_in_dim3A_439 = vector.broadcast %broadcast_in_dim3A_438 : f32 to vector<4x128xf32>
    %concatenate3A_440 = tpu.concatenate %broadcast_in_dim3A_437, %dot_general3A_435, %broadcast_in_dim3A_439 in 0 : vector<4x128xf32>, vector<5536x128xf32>, vector<4x128xf32> -> vector<5544x128xf32>
    %add3A_441 = arith.addf %concatenate3A_440, %dot_general3A_130 : vector<5544x128xf32>
    %max3A = arith.constant 0.000000e+00 : f32
    %max3A_442 = vector.broadcast %max3A : f32 to vector<5544x128xf32>
    %max3A_443 = arith.maximumf %add3A_441, %max3A_442 : vector<5544x128xf32>
    %mul3A_444 = vector.broadcast %get3A_6 : vector<5544x1xf32> to vector<5544x128xf32>
    %mul3A_445 = arith.mulf %max3A_443, %mul3A_444 : vector<5544x128xf32>
    %get3A_446 = arith.constant 0 : index
    %get3A_447 = arith.constant 0 : index
    %get3A_448 = vector.load %arg7[%get3A_446, %get3A_447] : memref<128x384xf32, #tpu.memory_space<vmem>>, vector<128x384xf32>
    %dot_general3A_449 = arith.constant dense<0.000000e+00> : vector<5544x384xf32>
    %dot_general3A_450 = tpu.matmul %mul3A_445, %get3A_448, %dot_general3A_449 {dimension_numbers = #tpu.dot_dimension_numbers<[1], [0], [0], [1], [0, 0, 1, 1], [], []>, transpose_lhs_hint = false} : vector<5544x128xf32>, vector<128x384xf32>, vector<5544x384xf32> -> vector<5544x384xf32>
    %slice3A_451 = vector.extract_strided_slice %dot_general3A_450 {offsets = [0, 0], sizes = [5544, 128], strides = [1, 1]} : vector<5544x384xf32> to vector<5544x128xf32>
    %slice3A_452 = vector.extract_strided_slice %dot_general3A_450 {offsets = [0, 128], sizes = [5544, 128], strides = [1, 1]} : vector<5544x384xf32> to vector<5544x128xf32>
    %slice3A_453 = vector.extract_strided_slice %dot_general3A_450 {offsets = [0, 256], sizes = [5544, 128], strides = [1, 1]} : vector<5544x384xf32> to vector<5544x128xf32>
    %slice3A_454 = vector.extract_strided_slice %slice3A_451 {offsets = [0, 0], sizes = [264, 128], strides = [1, 1]} : vector<5544x128xf32> to vector<264x128xf32>
    %mul3A_455 = arith.constant 0.166666672 : f32
    %mul3A_456 = vector.broadcast %mul3A_455 : f32 to vector<264x128xf32>
    %mul3A_457 = arith.mulf %mul3A_456, %slice3A_454 : vector<264x128xf32>
    %slice3A_458 = vector.extract_strided_slice %slice3A_452 {offsets = [264, 0], sizes = [264, 128], strides = [1, 1]} : vector<5544x128xf32> to vector<264x128xf32>
    %mul3A_459 = arith.constant 0.166666672 : f32
    %mul3A_460 = vector.broadcast %mul3A_459 : f32 to vector<264x128xf32>
    %mul3A_461 = arith.mulf %mul3A_460, %slice3A_458 : vector<264x128xf32>
    %add3A_462 = arith.addf %mul3A_457, %mul3A_461 : vector<264x128xf32>
    %slice3A_463 = vector.extract_strided_slice %slice3A_452 {offsets = [1320, 0], sizes = [264, 128], strides = [1, 1]} : vector<5544x128xf32> to vector<264x128xf32>
    %mul3A_464 = arith.constant 0.166666672 : f32
    %mul3A_465 = vector.broadcast %mul3A_464 : f32 to vector<264x128xf32>
    %mul3A_466 = arith.mulf %mul3A_465, %slice3A_463 : vector<264x128xf32>
    %add3A_467 = arith.addf %add3A_462, %mul3A_466 : vector<264x128xf32>
    %slice3A_468 = vector.extract_strided_slice %slice3A_452 {offsets = [2376, 0], sizes = [264, 128], strides = [1, 1]} : vector<5544x128xf32> to vector<264x128xf32>
    %mul3A_469 = arith.constant 0.166666672 : f32
    %mul3A_470 = vector.broadcast %mul3A_469 : f32 to vector<264x128xf32>
    %mul3A_471 = arith.mulf %mul3A_470, %slice3A_468 : vector<264x128xf32>
    %add3A_472 = arith.addf %add3A_467, %mul3A_471 : vector<264x128xf32>
    %slice3A_473 = vector.extract_strided_slice %slice3A_452 {offsets = [3432, 0], sizes = [264, 128], strides = [1, 1]} : vector<5544x128xf32> to vector<264x128xf32>
    %mul3A_474 = arith.constant 0.166666672 : f32
    %mul3A_475 = vector.broadcast %mul3A_474 : f32 to vector<264x128xf32>
    %mul3A_476 = arith.mulf %mul3A_475, %slice3A_473 : vector<264x128xf32>
    %add3A_477 = arith.addf %add3A_472, %mul3A_476 : vector<264x128xf32>
    %slice3A_478 = vector.extract_strided_slice %slice3A_452 {offsets = [4488, 0], sizes = [264, 128], strides = [1, 1]} : vector<5544x128xf32> to vector<264x128xf32>
    %mul3A_479 = arith.constant 0.166666672 : f32
    %mul3A_480 = vector.broadcast %mul3A_479 : f32 to vector<264x128xf32>
    %mul3A_481 = arith.mulf %mul3A_480, %slice3A_478 : vector<264x128xf32>
    %add3A_482 = arith.addf %add3A_477, %mul3A_481 : vector<264x128xf32>
    %slice3A_483 = vector.extract_strided_slice %slice3A_451 {offsets = [264, 0], sizes = [264, 128], strides = [1, 1]} : vector<5544x128xf32> to vector<264x128xf32>
    %mul3A_484 = arith.constant 0.333333343 : f32
    %mul3A_485 = vector.broadcast %mul3A_484 : f32 to vector<264x128xf32>
    %mul3A_486 = arith.mulf %mul3A_485, %slice3A_483 : vector<264x128xf32>
    %slice3A_487 = vector.extract_strided_slice %slice3A_452 {offsets = [528, 0], sizes = [264, 128], strides = [1, 1]} : vector<5544x128xf32> to vector<264x128xf32>
    %mul3A_488 = arith.constant 0.333333343 : f32
    %mul3A_489 = vector.broadcast %mul3A_488 : f32 to vector<264x128xf32>
    %mul3A_490 = arith.mulf %mul3A_489, %slice3A_487 : vector<264x128xf32>
    %add3A_491 = arith.addf %mul3A_486, %mul3A_490 : vector<264x128xf32>
    %slice3A_492 = vector.extract_strided_slice %slice3A_453 {offsets = [0, 0], sizes = [264, 128], strides = [1, 1]} : vector<5544x128xf32> to vector<264x128xf32>
    %mul3A_493 = arith.constant 0.333333343 : f32
    %mul3A_494 = vector.broadcast %mul3A_493 : f32 to vector<264x128xf32>
    %mul3A_495 = arith.mulf %mul3A_494, %slice3A_492 : vector<264x128xf32>
    %add3A_496 = arith.addf %add3A_491, %mul3A_495 : vector<264x128xf32>
    %slice3A_497 = vector.extract_strided_slice %slice3A_451 {offsets = [528, 0], sizes = [264, 128], strides = [1, 1]} : vector<5544x128xf32> to vector<264x128xf32>
    %mul3A_498 = arith.constant 0.333333343 : f32
    %mul3A_499 = vector.broadcast %mul3A_498 : f32 to vector<264x128xf32>
    %mul3A_500 = arith.mulf %mul3A_499, %slice3A_497 : vector<264x128xf32>
    %slice3A_501 = vector.extract_strided_slice %slice3A_452 {offsets = [792, 0], sizes = [264, 128], strides = [1, 1]} : vector<5544x128xf32> to vector<264x128xf32>
    %mul3A_502 = arith.constant 0.333333343 : f32
    %mul3A_503 = vector.broadcast %mul3A_502 : f32 to vector<264x128xf32>
    %mul3A_504 = arith.mulf %mul3A_503, %slice3A_501 : vector<264x128xf32>
    %add3A_505 = arith.addf %mul3A_500, %mul3A_504 : vector<264x128xf32>
    %slice3A_506 = vector.extract_strided_slice %slice3A_453 {offsets = [264, 0], sizes = [264, 128], strides = [1, 1]} : vector<5544x128xf32> to vector<264x128xf32>
    %mul3A_507 = arith.constant 0.333333343 : f32
    %mul3A_508 = vector.broadcast %mul3A_507 : f32 to vector<264x128xf32>
    %mul3A_509 = arith.mulf %mul3A_508, %slice3A_506 : vector<264x128xf32>
    %add3A_510 = arith.addf %add3A_505, %mul3A_509 : vector<264x128xf32>
    %slice3A_511 = vector.extract_strided_slice %slice3A_451 {offsets = [792, 0], sizes = [264, 128], strides = [1, 1]} : vector<5544x128xf32> to vector<264x128xf32>
    %mul3A_512 = arith.constant 0.333333343 : f32
    %mul3A_513 = vector.broadcast %mul3A_512 : f32 to vector<264x128xf32>
    %mul3A_514 = arith.mulf %mul3A_513, %slice3A_511 : vector<264x128xf32>
    %slice3A_515 = vector.extract_strided_slice %slice3A_452 {offsets = [1056, 0], sizes = [264, 128], strides = [1, 1]} : vector<5544x128xf32> to vector<264x128xf32>
    %mul3A_516 = arith.constant 0.333333343 : f32
    %mul3A_517 = vector.broadcast %mul3A_516 : f32 to vector<264x128xf32>
    %mul3A_518 = arith.mulf %mul3A_517, %slice3A_515 : vector<264x128xf32>
    %add3A_519 = arith.addf %mul3A_514, %mul3A_518 : vector<264x128xf32>
    %slice3A_520 = vector.extract_strided_slice %slice3A_453 {offsets = [528, 0], sizes = [264, 128], strides = [1, 1]} : vector<5544x128xf32> to vector<264x128xf32>
    %mul3A_521 = arith.constant 0.333333343 : f32
    %mul3A_522 = vector.broadcast %mul3A_521 : f32 to vector<264x128xf32>
    %mul3A_523 = arith.mulf %mul3A_522, %slice3A_520 : vector<264x128xf32>
    %add3A_524 = arith.addf %add3A_519, %mul3A_523 : vector<264x128xf32>
    %slice3A_525 = vector.extract_strided_slice %slice3A_451 {offsets = [1056, 0], sizes = [264, 128], strides = [1, 1]} : vector<5544x128xf32> to vector<264x128xf32>
    %mul3A_526 = arith.constant 5.000000e-01 : f32
    %mul3A_527 = vector.broadcast %mul3A_526 : f32 to vector<264x128xf32>
    %mul3A_528 = arith.mulf %mul3A_527, %slice3A_525 : vector<264x128xf32>
    %slice3A_529 = vector.extract_strided_slice %slice3A_453 {offsets = [792, 0], sizes = [264, 128], strides = [1, 1]} : vector<5544x128xf32> to vector<264x128xf32>
    %mul3A_530 = arith.constant 5.000000e-01 : f32
    %mul3A_531 = vector.broadcast %mul3A_530 : f32 to vector<264x128xf32>
    %mul3A_532 = arith.mulf %mul3A_531, %slice3A_529 : vector<264x128xf32>
    %add3A_533 = arith.addf %mul3A_528, %mul3A_532 : vector<264x128xf32>
    %slice3A_534 = vector.extract_strided_slice %slice3A_451 {offsets = [1320, 0], sizes = [264, 128], strides = [1, 1]} : vector<5544x128xf32> to vector<264x128xf32>
    %mul3A_535 = arith.constant 0.333333343 : f32
    %mul3A_536 = vector.broadcast %mul3A_535 : f32 to vector<264x128xf32>
    %mul3A_537 = arith.mulf %mul3A_536, %slice3A_534 : vector<264x128xf32>
    %slice3A_538 = vector.extract_strided_slice %slice3A_452 {offsets = [1584, 0], sizes = [264, 128], strides = [1, 1]} : vector<5544x128xf32> to vector<264x128xf32>
    %mul3A_539 = arith.constant 0.333333343 : f32
    %mul3A_540 = vector.broadcast %mul3A_539 : f32 to vector<264x128xf32>
    %mul3A_541 = arith.mulf %mul3A_540, %slice3A_538 : vector<264x128xf32>
    %add3A_542 = arith.addf %mul3A_537, %mul3A_541 : vector<264x128xf32>
    %slice3A_543 = vector.extract_strided_slice %slice3A_453 {offsets = [0, 0], sizes = [264, 128], strides = [1, 1]} : vector<5544x128xf32> to vector<264x128xf32>
    %mul3A_544 = arith.constant 0.333333343 : f32
    %mul3A_545 = vector.broadcast %mul3A_544 : f32 to vector<264x128xf32>
    %mul3A_546 = arith.mulf %mul3A_545, %slice3A_543 : vector<264x128xf32>
    %add3A_547 = arith.addf %add3A_542, %mul3A_546 : vector<264x128xf32>
    %slice3A_548 = vector.extract_strided_slice %slice3A_451 {offsets = [1584, 0], sizes = [264, 128], strides = [1, 1]} : vector<5544x128xf32> to vector<264x128xf32>
    %mul3A_549 = arith.constant 0.333333343 : f32
    %mul3A_550 = vector.broadcast %mul3A_549 : f32 to vector<264x128xf32>
    %mul3A_551 = arith.mulf %mul3A_550, %slice3A_548 : vector<264x128xf32>
    %slice3A_552 = vector.extract_strided_slice %slice3A_452 {offsets = [1848, 0], sizes = [264, 128], strides = [1, 1]} : vector<5544x128xf32> to vector<264x128xf32>
    %mul3A_553 = arith.constant 0.333333343 : f32
    %mul3A_554 = vector.broadcast %mul3A_553 : f32 to vector<264x128xf32>
    %mul3A_555 = arith.mulf %mul3A_554, %slice3A_552 : vector<264x128xf32>
    %add3A_556 = arith.addf %mul3A_551, %mul3A_555 : vector<264x128xf32>
    %slice3A_557 = vector.extract_strided_slice %slice3A_453 {offsets = [1320, 0], sizes = [264, 128], strides = [1, 1]} : vector<5544x128xf32> to vector<264x128xf32>
    %mul3A_558 = arith.constant 0.333333343 : f32
    %mul3A_559 = vector.broadcast %mul3A_558 : f32 to vector<264x128xf32>
    %mul3A_560 = arith.mulf %mul3A_559, %slice3A_557 : vector<264x128xf32>
    %add3A_561 = arith.addf %add3A_556, %mul3A_560 : vector<264x128xf32>
    %slice3A_562 = vector.extract_strided_slice %slice3A_451 {offsets = [1848, 0], sizes = [264, 128], strides = [1, 1]} : vector<5544x128xf32> to vector<264x128xf32>
    %mul3A_563 = arith.constant 0.333333343 : f32
    %mul3A_564 = vector.broadcast %mul3A_563 : f32 to vector<264x128xf32>
    %mul3A_565 = arith.mulf %mul3A_564, %slice3A_562 : vector<264x128xf32>
    %slice3A_566 = vector.extract_strided_slice %slice3A_452 {offsets = [2112, 0], sizes = [264, 128], strides = [1, 1]} : vector<5544x128xf32> to vector<264x128xf32>
    %mul3A_567 = arith.constant 0.333333343 : f32
    %mul3A_568 = vector.broadcast %mul3A_567 : f32 to vector<264x128xf32>
    %mul3A_569 = arith.mulf %mul3A_568, %slice3A_566 : vector<264x128xf32>
    %add3A_570 = arith.addf %mul3A_565, %mul3A_569 : vector<264x128xf32>
    %slice3A_571 = vector.extract_strided_slice %slice3A_453 {offsets = [1584, 0], sizes = [264, 128], strides = [1, 1]} : vector<5544x128xf32> to vector<264x128xf32>
    %mul3A_572 = arith.constant 0.333333343 : f32
    %mul3A_573 = vector.broadcast %mul3A_572 : f32 to vector<264x128xf32>
    %mul3A_574 = arith.mulf %mul3A_573, %slice3A_571 : vector<264x128xf32>
    %add3A_575 = arith.addf %add3A_570, %mul3A_574 : vector<264x128xf32>
    %slice3A_576 = vector.extract_strided_slice %slice3A_451 {offsets = [2112, 0], sizes = [264, 128], strides = [1, 1]} : vector<5544x128xf32> to vector<264x128xf32>
    %mul3A_577 = arith.constant 5.000000e-01 : f32
    %mul3A_578 = vector.broadcast %mul3A_577 : f32 to vector<264x128xf32>
    %mul3A_579 = arith.mulf %mul3A_578, %slice3A_576 : vector<264x128xf32>
    %slice3A_580 = vector.extract_strided_slice %slice3A_453 {offsets = [1848, 0], sizes = [264, 128], strides = [1, 1]} : vector<5544x128xf32> to vector<264x128xf32>
    %mul3A_581 = arith.constant 5.000000e-01 : f32
    %mul3A_582 = vector.broadcast %mul3A_581 : f32 to vector<264x128xf32>
    %mul3A_583 = arith.mulf %mul3A_582, %slice3A_580 : vector<264x128xf32>
    %add3A_584 = arith.addf %mul3A_579, %mul3A_583 : vector<264x128xf32>
    %slice3A_585 = vector.extract_strided_slice %slice3A_451 {offsets = [2376, 0], sizes = [264, 128], strides = [1, 1]} : vector<5544x128xf32> to vector<264x128xf32>
    %mul3A_586 = arith.constant 0.333333343 : f32
    %mul3A_587 = vector.broadcast %mul3A_586 : f32 to vector<264x128xf32>
    %mul3A_588 = arith.mulf %mul3A_587, %slice3A_585 : vector<264x128xf32>
    %slice3A_589 = vector.extract_strided_slice %slice3A_452 {offsets = [2640, 0], sizes = [264, 128], strides = [1, 1]} : vector<5544x128xf32> to vector<264x128xf32>
    %mul3A_590 = arith.constant 0.333333343 : f32
    %mul3A_591 = vector.broadcast %mul3A_590 : f32 to vector<264x128xf32>
    %mul3A_592 = arith.mulf %mul3A_591, %slice3A_589 : vector<264x128xf32>
    %add3A_593 = arith.addf %mul3A_588, %mul3A_592 : vector<264x128xf32>
    %slice3A_594 = vector.extract_strided_slice %slice3A_453 {offsets = [0, 0], sizes = [264, 128], strides = [1, 1]} : vector<5544x128xf32> to vector<264x128xf32>
    %mul3A_595 = arith.constant 0.333333343 : f32
    %mul3A_596 = vector.broadcast %mul3A_595 : f32 to vector<264x128xf32>
    %mul3A_597 = arith.mulf %mul3A_596, %slice3A_594 : vector<264x128xf32>
    %add3A_598 = arith.addf %add3A_593, %mul3A_597 : vector<264x128xf32>
    %slice3A_599 = vector.extract_strided_slice %slice3A_451 {offsets = [2640, 0], sizes = [264, 128], strides = [1, 1]} : vector<5544x128xf32> to vector<264x128xf32>
    %mul3A_600 = arith.constant 0.333333343 : f32
    %mul3A_601 = vector.broadcast %mul3A_600 : f32 to vector<264x128xf32>
    %mul3A_602 = arith.mulf %mul3A_601, %slice3A_599 : vector<264x128xf32>
    %slice3A_603 = vector.extract_strided_slice %slice3A_452 {offsets = [2904, 0], sizes = [264, 128], strides = [1, 1]} : vector<5544x128xf32> to vector<264x128xf32>
    %mul3A_604 = arith.constant 0.333333343 : f32
    %mul3A_605 = vector.broadcast %mul3A_604 : f32 to vector<264x128xf32>
    %mul3A_606 = arith.mulf %mul3A_605, %slice3A_603 : vector<264x128xf32>
    %add3A_607 = arith.addf %mul3A_602, %mul3A_606 : vector<264x128xf32>
    %slice3A_608 = vector.extract_strided_slice %slice3A_453 {offsets = [2376, 0], sizes = [264, 128], strides = [1, 1]} : vector<5544x128xf32> to vector<264x128xf32>
    %mul3A_609 = arith.constant 0.333333343 : f32
    %mul3A_610 = vector.broadcast %mul3A_609 : f32 to vector<264x128xf32>
    %mul3A_611 = arith.mulf %mul3A_610, %slice3A_608 : vector<264x128xf32>
    %add3A_612 = arith.addf %add3A_607, %mul3A_611 : vector<264x128xf32>
    %slice3A_613 = vector.extract_strided_slice %slice3A_451 {offsets = [2904, 0], sizes = [264, 128], strides = [1, 1]} : vector<5544x128xf32> to vector<264x128xf32>
    %mul3A_614 = arith.constant 0.333333343 : f32
    %mul3A_615 = vector.broadcast %mul3A_614 : f32 to vector<264x128xf32>
    %mul3A_616 = arith.mulf %mul3A_615, %slice3A_613 : vector<264x128xf32>
    %slice3A_617 = vector.extract_strided_slice %slice3A_452 {offsets = [3168, 0], sizes = [264, 128], strides = [1, 1]} : vector<5544x128xf32> to vector<264x128xf32>
    %mul3A_618 = arith.constant 0.333333343 : f32
    %mul3A_619 = vector.broadcast %mul3A_618 : f32 to vector<264x128xf32>
    %mul3A_620 = arith.mulf %mul3A_619, %slice3A_617 : vector<264x128xf32>
    %add3A_621 = arith.addf %mul3A_616, %mul3A_620 : vector<264x128xf32>
    %slice3A_622 = vector.extract_strided_slice %slice3A_453 {offsets = [2640, 0], sizes = [264, 128], strides = [1, 1]} : vector<5544x128xf32> to vector<264x128xf32>
    %mul3A_623 = arith.constant 0.333333343 : f32
    %mul3A_624 = vector.broadcast %mul3A_623 : f32 to vector<264x128xf32>
    %mul3A_625 = arith.mulf %mul3A_624, %slice3A_622 : vector<264x128xf32>
    %add3A_626 = arith.addf %add3A_621, %mul3A_625 : vector<264x128xf32>
    %slice3A_627 = vector.extract_strided_slice %slice3A_451 {offsets = [3168, 0], sizes = [264, 128], strides = [1, 1]} : vector<5544x128xf32> to vector<264x128xf32>
    %mul3A_628 = arith.constant 5.000000e-01 : f32
    %mul3A_629 = vector.broadcast %mul3A_628 : f32 to vector<264x128xf32>
    %mul3A_630 = arith.mulf %mul3A_629, %slice3A_627 : vector<264x128xf32>
    %slice3A_631 = vector.extract_strided_slice %slice3A_453 {offsets = [2904, 0], sizes = [264, 128], strides = [1, 1]} : vector<5544x128xf32> to vector<264x128xf32>
    %mul3A_632 = arith.constant 5.000000e-01 : f32
    %mul3A_633 = vector.broadcast %mul3A_632 : f32 to vector<264x128xf32>
    %mul3A_634 = arith.mulf %mul3A_633, %slice3A_631 : vector<264x128xf32>
    %add3A_635 = arith.addf %mul3A_630, %mul3A_634 : vector<264x128xf32>
    %slice3A_636 = vector.extract_strided_slice %slice3A_451 {offsets = [3432, 0], sizes = [264, 128], strides = [1, 1]} : vector<5544x128xf32> to vector<264x128xf32>
    %mul3A_637 = arith.constant 0.333333343 : f32
    %mul3A_638 = vector.broadcast %mul3A_637 : f32 to vector<264x128xf32>
    %mul3A_639 = arith.mulf %mul3A_638, %slice3A_636 : vector<264x128xf32>
    %slice3A_640 = vector.extract_strided_slice %slice3A_452 {offsets = [3696, 0], sizes = [264, 128], strides = [1, 1]} : vector<5544x128xf32> to vector<264x128xf32>
    %mul3A_641 = arith.constant 0.333333343 : f32
    %mul3A_642 = vector.broadcast %mul3A_641 : f32 to vector<264x128xf32>
    %mul3A_643 = arith.mulf %mul3A_642, %slice3A_640 : vector<264x128xf32>
    %add3A_644 = arith.addf %mul3A_639, %mul3A_643 : vector<264x128xf32>
    %slice3A_645 = vector.extract_strided_slice %slice3A_453 {offsets = [0, 0], sizes = [264, 128], strides = [1, 1]} : vector<5544x128xf32> to vector<264x128xf32>
    %mul3A_646 = arith.constant 0.333333343 : f32
    %mul3A_647 = vector.broadcast %mul3A_646 : f32 to vector<264x128xf32>
    %mul3A_648 = arith.mulf %mul3A_647, %slice3A_645 : vector<264x128xf32>
    %add3A_649 = arith.addf %add3A_644, %mul3A_648 : vector<264x128xf32>
    %slice3A_650 = vector.extract_strided_slice %slice3A_451 {offsets = [3696, 0], sizes = [264, 128], strides = [1, 1]} : vector<5544x128xf32> to vector<264x128xf32>
    %mul3A_651 = arith.constant 0.333333343 : f32
    %mul3A_652 = vector.broadcast %mul3A_651 : f32 to vector<264x128xf32>
    %mul3A_653 = arith.mulf %mul3A_652, %slice3A_650 : vector<264x128xf32>
    %slice3A_654 = vector.extract_strided_slice %slice3A_452 {offsets = [3960, 0], sizes = [264, 128], strides = [1, 1]} : vector<5544x128xf32> to vector<264x128xf32>
    %mul3A_655 = arith.constant 0.333333343 : f32
    %mul3A_656 = vector.broadcast %mul3A_655 : f32 to vector<264x128xf32>
    %mul3A_657 = arith.mulf %mul3A_656, %slice3A_654 : vector<264x128xf32>
    %add3A_658 = arith.addf %mul3A_653, %mul3A_657 : vector<264x128xf32>
    %slice3A_659 = vector.extract_strided_slice %slice3A_453 {offsets = [3432, 0], sizes = [264, 128], strides = [1, 1]} : vector<5544x128xf32> to vector<264x128xf32>
    %mul3A_660 = arith.constant 0.333333343 : f32
    %mul3A_661 = vector.broadcast %mul3A_660 : f32 to vector<264x128xf32>
    %mul3A_662 = arith.mulf %mul3A_661, %slice3A_659 : vector<264x128xf32>
    %add3A_663 = arith.addf %add3A_658, %mul3A_662 : vector<264x128xf32>
    %slice3A_664 = vector.extract_strided_slice %slice3A_451 {offsets = [3960, 0], sizes = [264, 128], strides = [1, 1]} : vector<5544x128xf32> to vector<264x128xf32>
    %mul3A_665 = arith.constant 0.333333343 : f32
    %mul3A_666 = vector.broadcast %mul3A_665 : f32 to vector<264x128xf32>
    %mul3A_667 = arith.mulf %mul3A_666, %slice3A_664 : vector<264x128xf32>
    %slice3A_668 = vector.extract_strided_slice %slice3A_452 {offsets = [4224, 0], sizes = [264, 128], strides = [1, 1]} : vector<5544x128xf32> to vector<264x128xf32>
    %mul3A_669 = arith.constant 0.333333343 : f32
    %mul3A_670 = vector.broadcast %mul3A_669 : f32 to vector<264x128xf32>
    %mul3A_671 = arith.mulf %mul3A_670, %slice3A_668 : vector<264x128xf32>
    %add3A_672 = arith.addf %mul3A_667, %mul3A_671 : vector<264x128xf32>
    %slice3A_673 = vector.extract_strided_slice %slice3A_453 {offsets = [3696, 0], sizes = [264, 128], strides = [1, 1]} : vector<5544x128xf32> to vector<264x128xf32>
    %mul3A_674 = arith.constant 0.333333343 : f32
    %mul3A_675 = vector.broadcast %mul3A_674 : f32 to vector<264x128xf32>
    %mul3A_676 = arith.mulf %mul3A_675, %slice3A_673 : vector<264x128xf32>
    %add3A_677 = arith.addf %add3A_672, %mul3A_676 : vector<264x128xf32>
    %slice3A_678 = vector.extract_strided_slice %slice3A_451 {offsets = [4224, 0], sizes = [264, 128], strides = [1, 1]} : vector<5544x128xf32> to vector<264x128xf32>
    %mul3A_679 = arith.constant 5.000000e-01 : f32
    %mul3A_680 = vector.broadcast %mul3A_679 : f32 to vector<264x128xf32>
    %mul3A_681 = arith.mulf %mul3A_680, %slice3A_678 : vector<264x128xf32>
    %slice3A_682 = vector.extract_strided_slice %slice3A_453 {offsets = [3960, 0], sizes = [264, 128], strides = [1, 1]} : vector<5544x128xf32> to vector<264x128xf32>
    %mul3A_683 = arith.constant 5.000000e-01 : f32
    %mul3A_684 = vector.broadcast %mul3A_683 : f32 to vector<264x128xf32>
    %mul3A_685 = arith.mulf %mul3A_684, %slice3A_682 : vector<264x128xf32>
    %add3A_686 = arith.addf %mul3A_681, %mul3A_685 : vector<264x128xf32>
    %slice3A_687 = vector.extract_strided_slice %slice3A_451 {offsets = [4488, 0], sizes = [264, 128], strides = [1, 1]} : vector<5544x128xf32> to vector<264x128xf32>
    %mul3A_688 = arith.constant 0.333333343 : f32
    %mul3A_689 = vector.broadcast %mul3A_688 : f32 to vector<264x128xf32>
    %mul3A_690 = arith.mulf %mul3A_689, %slice3A_687 : vector<264x128xf32>
    %slice3A_691 = vector.extract_strided_slice %slice3A_452 {offsets = [4752, 0], sizes = [264, 128], strides = [1, 1]} : vector<5544x128xf32> to vector<264x128xf32>
    %mul3A_692 = arith.constant 0.333333343 : f32
    %mul3A_693 = vector.broadcast %mul3A_692 : f32 to vector<264x128xf32>
    %mul3A_694 = arith.mulf %mul3A_693, %slice3A_691 : vector<264x128xf32>
    %add3A_695 = arith.addf %mul3A_690, %mul3A_694 : vector<264x128xf32>
    %slice3A_696 = vector.extract_strided_slice %slice3A_453 {offsets = [0, 0], sizes = [264, 128], strides = [1, 1]} : vector<5544x128xf32> to vector<264x128xf32>
    %mul3A_697 = arith.constant 0.333333343 : f32
    %mul3A_698 = vector.broadcast %mul3A_697 : f32 to vector<264x128xf32>
    %mul3A_699 = arith.mulf %mul3A_698, %slice3A_696 : vector<264x128xf32>
    %add3A_700 = arith.addf %add3A_695, %mul3A_699 : vector<264x128xf32>
    %slice3A_701 = vector.extract_strided_slice %slice3A_451 {offsets = [4752, 0], sizes = [264, 128], strides = [1, 1]} : vector<5544x128xf32> to vector<264x128xf32>
    %mul3A_702 = arith.constant 0.333333343 : f32
    %mul3A_703 = vector.broadcast %mul3A_702 : f32 to vector<264x128xf32>
    %mul3A_704 = arith.mulf %mul3A_703, %slice3A_701 : vector<264x128xf32>
    %slice3A_705 = vector.extract_strided_slice %slice3A_452 {offsets = [5016, 0], sizes = [264, 128], strides = [1, 1]} : vector<5544x128xf32> to vector<264x128xf32>
    %mul3A_706 = arith.constant 0.333333343 : f32
    %mul3A_707 = vector.broadcast %mul3A_706 : f32 to vector<264x128xf32>
    %mul3A_708 = arith.mulf %mul3A_707, %slice3A_705 : vector<264x128xf32>
    %add3A_709 = arith.addf %mul3A_704, %mul3A_708 : vector<264x128xf32>
    %slice3A_710 = vector.extract_strided_slice %slice3A_453 {offsets = [4488, 0], sizes = [264, 128], strides = [1, 1]} : vector<5544x128xf32> to vector<264x128xf32>
    %mul3A_711 = arith.constant 0.333333343 : f32
    %mul3A_712 = vector.broadcast %mul3A_711 : f32 to vector<264x128xf32>
    %mul3A_713 = arith.mulf %mul3A_712, %slice3A_710 : vector<264x128xf32>
    %add3A_714 = arith.addf %add3A_709, %mul3A_713 : vector<264x128xf32>
    %slice3A_715 = vector.extract_strided_slice %slice3A_451 {offsets = [5016, 0], sizes = [264, 128], strides = [1, 1]} : vector<5544x128xf32> to vector<264x128xf32>
    %mul3A_716 = arith.constant 0.333333343 : f32
    %mul3A_717 = vector.broadcast %mul3A_716 : f32 to vector<264x128xf32>
    %mul3A_718 = arith.mulf %mul3A_717, %slice3A_715 : vector<264x128xf32>
    %slice3A_719 = vector.extract_strided_slice %slice3A_452 {offsets = [5280, 0], sizes = [264, 128], strides = [1, 1]} : vector<5544x128xf32> to vector<264x128xf32>
    %mul3A_720 = arith.constant 0.333333343 : f32
    %mul3A_721 = vector.broadcast %mul3A_720 : f32 to vector<264x128xf32>
    %mul3A_722 = arith.mulf %mul3A_721, %slice3A_719 : vector<264x128xf32>
    %add3A_723 = arith.addf %mul3A_718, %mul3A_722 : vector<264x128xf32>
    %slice3A_724 = vector.extract_strided_slice %slice3A_453 {offsets = [4752, 0], sizes = [264, 128], strides = [1, 1]} : vector<5544x128xf32> to vector<264x128xf32>
    %mul3A_725 = arith.constant 0.333333343 : f32
    %mul3A_726 = vector.broadcast %mul3A_725 : f32 to vector<264x128xf32>
    %mul3A_727 = arith.mulf %mul3A_726, %slice3A_724 : vector<264x128xf32>
    %add3A_728 = arith.addf %add3A_723, %mul3A_727 : vector<264x128xf32>
    %slice3A_729 = vector.extract_strided_slice %slice3A_451 {offsets = [5280, 0], sizes = [264, 128], strides = [1, 1]} : vector<5544x128xf32> to vector<264x128xf32>
    %mul3A_730 = arith.constant 5.000000e-01 : f32
    %mul3A_731 = vector.broadcast %mul3A_730 : f32 to vector<264x128xf32>
    %mul3A_732 = arith.mulf %mul3A_731, %slice3A_729 : vector<264x128xf32>
    %slice3A_733 = vector.extract_strided_slice %slice3A_453 {offsets = [5016, 0], sizes = [264, 128], strides = [1, 1]} : vector<5544x128xf32> to vector<264x128xf32>
    %mul3A_734 = arith.constant 5.000000e-01 : f32
    %mul3A_735 = vector.broadcast %mul3A_734 : f32 to vector<264x128xf32>
    %mul3A_736 = arith.mulf %mul3A_735, %slice3A_733 : vector<264x128xf32>
    %add3A_737 = arith.addf %mul3A_732, %mul3A_736 : vector<264x128xf32>
    %concatenate3A_738 = tpu.concatenate %add3A_482, %add3A_496, %add3A_510, %add3A_524, %add3A_533, %add3A_547, %add3A_561, %add3A_575, %add3A_584, %add3A_598, %add3A_612, %add3A_626, %add3A_635, %add3A_649, %add3A_663, %add3A_677, %add3A_686, %add3A_700, %add3A_714, %add3A_728, %add3A_737 in 0 : vector<264x128xf32>, vector<264x128xf32>, vector<264x128xf32>, vector<264x128xf32>, vector<264x128xf32>, vector<264x128xf32>, vector<264x128xf32>, vector<264x128xf32>, vector<264x128xf32>, vector<264x128xf32>, vector<264x128xf32>, vector<264x128xf32>, vector<264x128xf32>, vector<264x128xf32>, vector<264x128xf32>, vector<264x128xf32>, vector<264x128xf32>, vector<264x128xf32>, vector<264x128xf32>, vector<264x128xf32>, vector<264x128xf32> -> vector<5544x128xf32>
    %slice3A_739 = vector.extract_strided_slice %concatenate3A_738 {offsets = [0, 0], sizes = [5536, 128], strides = [1, 1]} : vector<5544x128xf32> to vector<5536x128xf32>
    %slice3A_740 = vector.extract_strided_slice %concatenate3A_738 {offsets = [1, 0], sizes = [5536, 128], strides = [1, 1]} : vector<5544x128xf32> to vector<5536x128xf32>
    %slice3A_741 = vector.extract_strided_slice %concatenate3A_738 {offsets = [2, 0], sizes = [5536, 128], strides = [1, 1]} : vector<5544x128xf32> to vector<5536x128xf32>
    %slice3A_742 = vector.extract_strided_slice %concatenate3A_738 {offsets = [3, 0], sizes = [5536, 128], strides = [1, 1]} : vector<5544x128xf32> to vector<5536x128xf32>
    %slice3A_743 = vector.extract_strided_slice %concatenate3A_738 {offsets = [4, 0], sizes = [5536, 128], strides = [1, 1]} : vector<5544x128xf32> to vector<5536x128xf32>
    %slice3A_744 = vector.extract_strided_slice %concatenate3A_738 {offsets = [5, 0], sizes = [5536, 128], strides = [1, 1]} : vector<5544x128xf32> to vector<5536x128xf32>
    %slice3A_745 = vector.extract_strided_slice %concatenate3A_738 {offsets = [6, 0], sizes = [5536, 128], strides = [1, 1]} : vector<5544x128xf32> to vector<5536x128xf32>
    %slice3A_746 = vector.extract_strided_slice %concatenate3A_738 {offsets = [7, 0], sizes = [5536, 128], strides = [1, 1]} : vector<5544x128xf32> to vector<5536x128xf32>
    %slice3A_747 = vector.extract_strided_slice %concatenate3A_738 {offsets = [8, 0], sizes = [5536, 128], strides = [1, 1]} : vector<5544x128xf32> to vector<5536x128xf32>
    %concatenate3A_748 = tpu.concatenate %slice3A_739, %slice3A_740, %slice3A_741, %slice3A_742, %slice3A_743, %slice3A_744, %slice3A_745, %slice3A_746, %slice3A_747 in 1 : vector<5536x128xf32>, vector<5536x128xf32>, vector<5536x128xf32>, vector<5536x128xf32>, vector<5536x128xf32>, vector<5536x128xf32>, vector<5536x128xf32>, vector<5536x128xf32>, vector<5536x128xf32> -> vector<5536x1152xf32>
    %get3A_749 = arith.constant 0 : index
    %get3A_750 = arith.constant 0 : index
    %get3A_751 = vector.load %arg8[%get3A_749, %get3A_750] : memref<1152x128xf32, #tpu.memory_space<vmem>>, vector<1152x128xf32>
    %dot_general3A_752 = arith.constant dense<0.000000e+00> : vector<5536x128xf32>
    %dot_general3A_753 = tpu.matmul %concatenate3A_748, %get3A_751, %dot_general3A_752 {dimension_numbers = #tpu.dot_dimension_numbers<[1], [0], [0], [1], [0, 0, 1, 1], [], []>, transpose_lhs_hint = false} : vector<5536x1152xf32>, vector<1152x128xf32>, vector<5536x128xf32> -> vector<5536x128xf32>
    %broadcast_in_dim3A_754 = arith.constant 0.000000e+00 : f32
    %broadcast_in_dim3A_755 = vector.broadcast %broadcast_in_dim3A_754 : f32 to vector<4x128xf32>
    %broadcast_in_dim3A_756 = arith.constant 0.000000e+00 : f32
    %broadcast_in_dim3A_757 = vector.broadcast %broadcast_in_dim3A_756 : f32 to vector<4x128xf32>
    %concatenate3A_758 = tpu.concatenate %broadcast_in_dim3A_755, %dot_general3A_753, %broadcast_in_dim3A_757 in 0 : vector<4x128xf32>, vector<5536x128xf32>, vector<4x128xf32> -> vector<5544x128xf32>
    %add3A_759 = arith.addf %concatenate3A_758, %mul3A_445 : vector<5544x128xf32>
    %max3A_760 = arith.constant 0.000000e+00 : f32
    %max3A_761 = vector.broadcast %max3A_760 : f32 to vector<5544x128xf32>
    %max3A_762 = arith.maximumf %add3A_759, %max3A_761 : vector<5544x128xf32>
    %mul3A_763 = vector.broadcast %get3A_6 : vector<5544x1xf32> to vector<5544x128xf32>
    %mul3A_764 = arith.mulf %max3A_762, %mul3A_763 : vector<5544x128xf32>
    %get3A_765 = arith.constant 0 : index
    %get3A_766 = arith.constant 0 : index
    %get3A_767 = vector.load %arg9[%get3A_765, %get3A_766] : memref<128x384xf32, #tpu.memory_space<vmem>>, vector<128x384xf32>
    %dot_general3A_768 = arith.constant dense<0.000000e+00> : vector<5544x384xf32>
    %dot_general3A_769 = tpu.matmul %mul3A_764, %get3A_767, %dot_general3A_768 {dimension_numbers = #tpu.dot_dimension_numbers<[1], [0], [0], [1], [0, 0, 1, 1], [], []>, transpose_lhs_hint = false} : vector<5544x128xf32>, vector<128x384xf32>, vector<5544x384xf32> -> vector<5544x384xf32>
    %slice3A_770 = vector.extract_strided_slice %dot_general3A_769 {offsets = [0, 0], sizes = [5544, 128], strides = [1, 1]} : vector<5544x384xf32> to vector<5544x128xf32>
    %slice3A_771 = vector.extract_strided_slice %dot_general3A_769 {offsets = [0, 128], sizes = [5544, 128], strides = [1, 1]} : vector<5544x384xf32> to vector<5544x128xf32>
    %slice3A_772 = vector.extract_strided_slice %dot_general3A_769 {offsets = [0, 256], sizes = [5544, 128], strides = [1, 1]} : vector<5544x384xf32> to vector<5544x128xf32>
    %slice3A_773 = vector.extract_strided_slice %slice3A_770 {offsets = [0, 0], sizes = [264, 128], strides = [1, 1]} : vector<5544x128xf32> to vector<264x128xf32>
    %mul3A_774 = arith.constant 0.166666672 : f32
    %mul3A_775 = vector.broadcast %mul3A_774 : f32 to vector<264x128xf32>
    %mul3A_776 = arith.mulf %mul3A_775, %slice3A_773 : vector<264x128xf32>
    %slice3A_777 = vector.extract_strided_slice %slice3A_771 {offsets = [264, 0], sizes = [264, 128], strides = [1, 1]} : vector<5544x128xf32> to vector<264x128xf32>
    %mul3A_778 = arith.constant 0.166666672 : f32
    %mul3A_779 = vector.broadcast %mul3A_778 : f32 to vector<264x128xf32>
    %mul3A_780 = arith.mulf %mul3A_779, %slice3A_777 : vector<264x128xf32>
    %add3A_781 = arith.addf %mul3A_776, %mul3A_780 : vector<264x128xf32>
    %slice3A_782 = vector.extract_strided_slice %slice3A_771 {offsets = [1320, 0], sizes = [264, 128], strides = [1, 1]} : vector<5544x128xf32> to vector<264x128xf32>
    %mul3A_783 = arith.constant 0.166666672 : f32
    %mul3A_784 = vector.broadcast %mul3A_783 : f32 to vector<264x128xf32>
    %mul3A_785 = arith.mulf %mul3A_784, %slice3A_782 : vector<264x128xf32>
    %add3A_786 = arith.addf %add3A_781, %mul3A_785 : vector<264x128xf32>
    %slice3A_787 = vector.extract_strided_slice %slice3A_771 {offsets = [2376, 0], sizes = [264, 128], strides = [1, 1]} : vector<5544x128xf32> to vector<264x128xf32>
    %mul3A_788 = arith.constant 0.166666672 : f32
    %mul3A_789 = vector.broadcast %mul3A_788 : f32 to vector<264x128xf32>
    %mul3A_790 = arith.mulf %mul3A_789, %slice3A_787 : vector<264x128xf32>
    %add3A_791 = arith.addf %add3A_786, %mul3A_790 : vector<264x128xf32>
    %slice3A_792 = vector.extract_strided_slice %slice3A_771 {offsets = [3432, 0], sizes = [264, 128], strides = [1, 1]} : vector<5544x128xf32> to vector<264x128xf32>
    %mul3A_793 = arith.constant 0.166666672 : f32
    %mul3A_794 = vector.broadcast %mul3A_793 : f32 to vector<264x128xf32>
    %mul3A_795 = arith.mulf %mul3A_794, %slice3A_792 : vector<264x128xf32>
    %add3A_796 = arith.addf %add3A_791, %mul3A_795 : vector<264x128xf32>
    %slice3A_797 = vector.extract_strided_slice %slice3A_771 {offsets = [4488, 0], sizes = [264, 128], strides = [1, 1]} : vector<5544x128xf32> to vector<264x128xf32>
    %mul3A_798 = arith.constant 0.166666672 : f32
    %mul3A_799 = vector.broadcast %mul3A_798 : f32 to vector<264x128xf32>
    %mul3A_800 = arith.mulf %mul3A_799, %slice3A_797 : vector<264x128xf32>
    %add3A_801 = arith.addf %add3A_796, %mul3A_800 : vector<264x128xf32>
    %slice3A_802 = vector.extract_strided_slice %slice3A_770 {offsets = [264, 0], sizes = [264, 128], strides = [1, 1]} : vector<5544x128xf32> to vector<264x128xf32>
    %mul3A_803 = arith.constant 0.333333343 : f32
    %mul3A_804 = vector.broadcast %mul3A_803 : f32 to vector<264x128xf32>
    %mul3A_805 = arith.mulf %mul3A_804, %slice3A_802 : vector<264x128xf32>
    %slice3A_806 = vector.extract_strided_slice %slice3A_771 {offsets = [528, 0], sizes = [264, 128], strides = [1, 1]} : vector<5544x128xf32> to vector<264x128xf32>
    %mul3A_807 = arith.constant 0.333333343 : f32
    %mul3A_808 = vector.broadcast %mul3A_807 : f32 to vector<264x128xf32>
    %mul3A_809 = arith.mulf %mul3A_808, %slice3A_806 : vector<264x128xf32>
    %add3A_810 = arith.addf %mul3A_805, %mul3A_809 : vector<264x128xf32>
    %slice3A_811 = vector.extract_strided_slice %slice3A_772 {offsets = [0, 0], sizes = [264, 128], strides = [1, 1]} : vector<5544x128xf32> to vector<264x128xf32>
    %mul3A_812 = arith.constant 0.333333343 : f32
    %mul3A_813 = vector.broadcast %mul3A_812 : f32 to vector<264x128xf32>
    %mul3A_814 = arith.mulf %mul3A_813, %slice3A_811 : vector<264x128xf32>
    %add3A_815 = arith.addf %add3A_810, %mul3A_814 : vector<264x128xf32>
    %slice3A_816 = vector.extract_strided_slice %slice3A_770 {offsets = [528, 0], sizes = [264, 128], strides = [1, 1]} : vector<5544x128xf32> to vector<264x128xf32>
    %mul3A_817 = arith.constant 0.333333343 : f32
    %mul3A_818 = vector.broadcast %mul3A_817 : f32 to vector<264x128xf32>
    %mul3A_819 = arith.mulf %mul3A_818, %slice3A_816 : vector<264x128xf32>
    %slice3A_820 = vector.extract_strided_slice %slice3A_771 {offsets = [792, 0], sizes = [264, 128], strides = [1, 1]} : vector<5544x128xf32> to vector<264x128xf32>
    %mul3A_821 = arith.constant 0.333333343 : f32
    %mul3A_822 = vector.broadcast %mul3A_821 : f32 to vector<264x128xf32>
    %mul3A_823 = arith.mulf %mul3A_822, %slice3A_820 : vector<264x128xf32>
    %add3A_824 = arith.addf %mul3A_819, %mul3A_823 : vector<264x128xf32>
    %slice3A_825 = vector.extract_strided_slice %slice3A_772 {offsets = [264, 0], sizes = [264, 128], strides = [1, 1]} : vector<5544x128xf32> to vector<264x128xf32>
    %mul3A_826 = arith.constant 0.333333343 : f32
    %mul3A_827 = vector.broadcast %mul3A_826 : f32 to vector<264x128xf32>
    %mul3A_828 = arith.mulf %mul3A_827, %slice3A_825 : vector<264x128xf32>
    %add3A_829 = arith.addf %add3A_824, %mul3A_828 : vector<264x128xf32>
    %slice3A_830 = vector.extract_strided_slice %slice3A_770 {offsets = [792, 0], sizes = [264, 128], strides = [1, 1]} : vector<5544x128xf32> to vector<264x128xf32>
    %mul3A_831 = arith.constant 0.333333343 : f32
    %mul3A_832 = vector.broadcast %mul3A_831 : f32 to vector<264x128xf32>
    %mul3A_833 = arith.mulf %mul3A_832, %slice3A_830 : vector<264x128xf32>
    %slice3A_834 = vector.extract_strided_slice %slice3A_771 {offsets = [1056, 0], sizes = [264, 128], strides = [1, 1]} : vector<5544x128xf32> to vector<264x128xf32>
    %mul3A_835 = arith.constant 0.333333343 : f32
    %mul3A_836 = vector.broadcast %mul3A_835 : f32 to vector<264x128xf32>
    %mul3A_837 = arith.mulf %mul3A_836, %slice3A_834 : vector<264x128xf32>
    %add3A_838 = arith.addf %mul3A_833, %mul3A_837 : vector<264x128xf32>
    %slice3A_839 = vector.extract_strided_slice %slice3A_772 {offsets = [528, 0], sizes = [264, 128], strides = [1, 1]} : vector<5544x128xf32> to vector<264x128xf32>
    %mul3A_840 = arith.constant 0.333333343 : f32
    %mul3A_841 = vector.broadcast %mul3A_840 : f32 to vector<264x128xf32>
    %mul3A_842 = arith.mulf %mul3A_841, %slice3A_839 : vector<264x128xf32>
    %add3A_843 = arith.addf %add3A_838, %mul3A_842 : vector<264x128xf32>
    %slice3A_844 = vector.extract_strided_slice %slice3A_770 {offsets = [1056, 0], sizes = [264, 128], strides = [1, 1]} : vector<5544x128xf32> to vector<264x128xf32>
    %mul3A_845 = arith.constant 5.000000e-01 : f32
    %mul3A_846 = vector.broadcast %mul3A_845 : f32 to vector<264x128xf32>
    %mul3A_847 = arith.mulf %mul3A_846, %slice3A_844 : vector<264x128xf32>
    %slice3A_848 = vector.extract_strided_slice %slice3A_772 {offsets = [792, 0], sizes = [264, 128], strides = [1, 1]} : vector<5544x128xf32> to vector<264x128xf32>
    %mul3A_849 = arith.constant 5.000000e-01 : f32
    %mul3A_850 = vector.broadcast %mul3A_849 : f32 to vector<264x128xf32>
    %mul3A_851 = arith.mulf %mul3A_850, %slice3A_848 : vector<264x128xf32>
    %add3A_852 = arith.addf %mul3A_847, %mul3A_851 : vector<264x128xf32>
    %slice3A_853 = vector.extract_strided_slice %slice3A_770 {offsets = [1320, 0], sizes = [264, 128], strides = [1, 1]} : vector<5544x128xf32> to vector<264x128xf32>
    %mul3A_854 = arith.constant 0.333333343 : f32
    %mul3A_855 = vector.broadcast %mul3A_854 : f32 to vector<264x128xf32>
    %mul3A_856 = arith.mulf %mul3A_855, %slice3A_853 : vector<264x128xf32>
    %slice3A_857 = vector.extract_strided_slice %slice3A_771 {offsets = [1584, 0], sizes = [264, 128], strides = [1, 1]} : vector<5544x128xf32> to vector<264x128xf32>
    %mul3A_858 = arith.constant 0.333333343 : f32
    %mul3A_859 = vector.broadcast %mul3A_858 : f32 to vector<264x128xf32>
    %mul3A_860 = arith.mulf %mul3A_859, %slice3A_857 : vector<264x128xf32>
    %add3A_861 = arith.addf %mul3A_856, %mul3A_860 : vector<264x128xf32>
    %slice3A_862 = vector.extract_strided_slice %slice3A_772 {offsets = [0, 0], sizes = [264, 128], strides = [1, 1]} : vector<5544x128xf32> to vector<264x128xf32>
    %mul3A_863 = arith.constant 0.333333343 : f32
    %mul3A_864 = vector.broadcast %mul3A_863 : f32 to vector<264x128xf32>
    %mul3A_865 = arith.mulf %mul3A_864, %slice3A_862 : vector<264x128xf32>
    %add3A_866 = arith.addf %add3A_861, %mul3A_865 : vector<264x128xf32>
    %slice3A_867 = vector.extract_strided_slice %slice3A_770 {offsets = [1584, 0], sizes = [264, 128], strides = [1, 1]} : vector<5544x128xf32> to vector<264x128xf32>
    %mul3A_868 = arith.constant 0.333333343 : f32
    %mul3A_869 = vector.broadcast %mul3A_868 : f32 to vector<264x128xf32>
    %mul3A_870 = arith.mulf %mul3A_869, %slice3A_867 : vector<264x128xf32>
    %slice3A_871 = vector.extract_strided_slice %slice3A_771 {offsets = [1848, 0], sizes = [264, 128], strides = [1, 1]} : vector<5544x128xf32> to vector<264x128xf32>
    %mul3A_872 = arith.constant 0.333333343 : f32
    %mul3A_873 = vector.broadcast %mul3A_872 : f32 to vector<264x128xf32>
    %mul3A_874 = arith.mulf %mul3A_873, %slice3A_871 : vector<264x128xf32>
    %add3A_875 = arith.addf %mul3A_870, %mul3A_874 : vector<264x128xf32>
    %slice3A_876 = vector.extract_strided_slice %slice3A_772 {offsets = [1320, 0], sizes = [264, 128], strides = [1, 1]} : vector<5544x128xf32> to vector<264x128xf32>
    %mul3A_877 = arith.constant 0.333333343 : f32
    %mul3A_878 = vector.broadcast %mul3A_877 : f32 to vector<264x128xf32>
    %mul3A_879 = arith.mulf %mul3A_878, %slice3A_876 : vector<264x128xf32>
    %add3A_880 = arith.addf %add3A_875, %mul3A_879 : vector<264x128xf32>
    %slice3A_881 = vector.extract_strided_slice %slice3A_770 {offsets = [1848, 0], sizes = [264, 128], strides = [1, 1]} : vector<5544x128xf32> to vector<264x128xf32>
    %mul3A_882 = arith.constant 0.333333343 : f32
    %mul3A_883 = vector.broadcast %mul3A_882 : f32 to vector<264x128xf32>
    %mul3A_884 = arith.mulf %mul3A_883, %slice3A_881 : vector<264x128xf32>
    %slice3A_885 = vector.extract_strided_slice %slice3A_771 {offsets = [2112, 0], sizes = [264, 128], strides = [1, 1]} : vector<5544x128xf32> to vector<264x128xf32>
    %mul3A_886 = arith.constant 0.333333343 : f32
    %mul3A_887 = vector.broadcast %mul3A_886 : f32 to vector<264x128xf32>
    %mul3A_888 = arith.mulf %mul3A_887, %slice3A_885 : vector<264x128xf32>
    %add3A_889 = arith.addf %mul3A_884, %mul3A_888 : vector<264x128xf32>
    %slice3A_890 = vector.extract_strided_slice %slice3A_772 {offsets = [1584, 0], sizes = [264, 128], strides = [1, 1]} : vector<5544x128xf32> to vector<264x128xf32>
    %mul3A_891 = arith.constant 0.333333343 : f32
    %mul3A_892 = vector.broadcast %mul3A_891 : f32 to vector<264x128xf32>
    %mul3A_893 = arith.mulf %mul3A_892, %slice3A_890 : vector<264x128xf32>
    %add3A_894 = arith.addf %add3A_889, %mul3A_893 : vector<264x128xf32>
    %slice3A_895 = vector.extract_strided_slice %slice3A_770 {offsets = [2112, 0], sizes = [264, 128], strides = [1, 1]} : vector<5544x128xf32> to vector<264x128xf32>
    %mul3A_896 = arith.constant 5.000000e-01 : f32
    %mul3A_897 = vector.broadcast %mul3A_896 : f32 to vector<264x128xf32>
    %mul3A_898 = arith.mulf %mul3A_897, %slice3A_895 : vector<264x128xf32>
    %slice3A_899 = vector.extract_strided_slice %slice3A_772 {offsets = [1848, 0], sizes = [264, 128], strides = [1, 1]} : vector<5544x128xf32> to vector<264x128xf32>
    %mul3A_900 = arith.constant 5.000000e-01 : f32
    %mul3A_901 = vector.broadcast %mul3A_900 : f32 to vector<264x128xf32>
    %mul3A_902 = arith.mulf %mul3A_901, %slice3A_899 : vector<264x128xf32>
    %add3A_903 = arith.addf %mul3A_898, %mul3A_902 : vector<264x128xf32>
    %slice3A_904 = vector.extract_strided_slice %slice3A_770 {offsets = [2376, 0], sizes = [264, 128], strides = [1, 1]} : vector<5544x128xf32> to vector<264x128xf32>
    %mul3A_905 = arith.constant 0.333333343 : f32
    %mul3A_906 = vector.broadcast %mul3A_905 : f32 to vector<264x128xf32>
    %mul3A_907 = arith.mulf %mul3A_906, %slice3A_904 : vector<264x128xf32>
    %slice3A_908 = vector.extract_strided_slice %slice3A_771 {offsets = [2640, 0], sizes = [264, 128], strides = [1, 1]} : vector<5544x128xf32> to vector<264x128xf32>
    %mul3A_909 = arith.constant 0.333333343 : f32
    %mul3A_910 = vector.broadcast %mul3A_909 : f32 to vector<264x128xf32>
    %mul3A_911 = arith.mulf %mul3A_910, %slice3A_908 : vector<264x128xf32>
    %add3A_912 = arith.addf %mul3A_907, %mul3A_911 : vector<264x128xf32>
    %slice3A_913 = vector.extract_strided_slice %slice3A_772 {offsets = [0, 0], sizes = [264, 128], strides = [1, 1]} : vector<5544x128xf32> to vector<264x128xf32>
    %mul3A_914 = arith.constant 0.333333343 : f32
    %mul3A_915 = vector.broadcast %mul3A_914 : f32 to vector<264x128xf32>
    %mul3A_916 = arith.mulf %mul3A_915, %slice3A_913 : vector<264x128xf32>
    %add3A_917 = arith.addf %add3A_912, %mul3A_916 : vector<264x128xf32>
    %slice3A_918 = vector.extract_strided_slice %slice3A_770 {offsets = [2640, 0], sizes = [264, 128], strides = [1, 1]} : vector<5544x128xf32> to vector<264x128xf32>
    %mul3A_919 = arith.constant 0.333333343 : f32
    %mul3A_920 = vector.broadcast %mul3A_919 : f32 to vector<264x128xf32>
    %mul3A_921 = arith.mulf %mul3A_920, %slice3A_918 : vector<264x128xf32>
    %slice3A_922 = vector.extract_strided_slice %slice3A_771 {offsets = [2904, 0], sizes = [264, 128], strides = [1, 1]} : vector<5544x128xf32> to vector<264x128xf32>
    %mul3A_923 = arith.constant 0.333333343 : f32
    %mul3A_924 = vector.broadcast %mul3A_923 : f32 to vector<264x128xf32>
    %mul3A_925 = arith.mulf %mul3A_924, %slice3A_922 : vector<264x128xf32>
    %add3A_926 = arith.addf %mul3A_921, %mul3A_925 : vector<264x128xf32>
    %slice3A_927 = vector.extract_strided_slice %slice3A_772 {offsets = [2376, 0], sizes = [264, 128], strides = [1, 1]} : vector<5544x128xf32> to vector<264x128xf32>
    %mul3A_928 = arith.constant 0.333333343 : f32
    %mul3A_929 = vector.broadcast %mul3A_928 : f32 to vector<264x128xf32>
    %mul3A_930 = arith.mulf %mul3A_929, %slice3A_927 : vector<264x128xf32>
    %add3A_931 = arith.addf %add3A_926, %mul3A_930 : vector<264x128xf32>
    %slice3A_932 = vector.extract_strided_slice %slice3A_770 {offsets = [2904, 0], sizes = [264, 128], strides = [1, 1]} : vector<5544x128xf32> to vector<264x128xf32>
    %mul3A_933 = arith.constant 0.333333343 : f32
    %mul3A_934 = vector.broadcast %mul3A_933 : f32 to vector<264x128xf32>
    %mul3A_935 = arith.mulf %mul3A_934, %slice3A_932 : vector<264x128xf32>
    %slice3A_936 = vector.extract_strided_slice %slice3A_771 {offsets = [3168, 0], sizes = [264, 128], strides = [1, 1]} : vector<5544x128xf32> to vector<264x128xf32>
    %mul3A_937 = arith.constant 0.333333343 : f32
    %mul3A_938 = vector.broadcast %mul3A_937 : f32 to vector<264x128xf32>
    %mul3A_939 = arith.mulf %mul3A_938, %slice3A_936 : vector<264x128xf32>
    %add3A_940 = arith.addf %mul3A_935, %mul3A_939 : vector<264x128xf32>
    %slice3A_941 = vector.extract_strided_slice %slice3A_772 {offsets = [2640, 0], sizes = [264, 128], strides = [1, 1]} : vector<5544x128xf32> to vector<264x128xf32>
    %mul3A_942 = arith.constant 0.333333343 : f32
    %mul3A_943 = vector.broadcast %mul3A_942 : f32 to vector<264x128xf32>
    %mul3A_944 = arith.mulf %mul3A_943, %slice3A_941 : vector<264x128xf32>
    %add3A_945 = arith.addf %add3A_940, %mul3A_944 : vector<264x128xf32>
    %slice3A_946 = vector.extract_strided_slice %slice3A_770 {offsets = [3168, 0], sizes = [264, 128], strides = [1, 1]} : vector<5544x128xf32> to vector<264x128xf32>
    %mul3A_947 = arith.constant 5.000000e-01 : f32
    %mul3A_948 = vector.broadcast %mul3A_947 : f32 to vector<264x128xf32>
    %mul3A_949 = arith.mulf %mul3A_948, %slice3A_946 : vector<264x128xf32>
    %slice3A_950 = vector.extract_strided_slice %slice3A_772 {offsets = [2904, 0], sizes = [264, 128], strides = [1, 1]} : vector<5544x128xf32> to vector<264x128xf32>
    %mul3A_951 = arith.constant 5.000000e-01 : f32
    %mul3A_952 = vector.broadcast %mul3A_951 : f32 to vector<264x128xf32>
    %mul3A_953 = arith.mulf %mul3A_952, %slice3A_950 : vector<264x128xf32>
    %add3A_954 = arith.addf %mul3A_949, %mul3A_953 : vector<264x128xf32>
    %slice3A_955 = vector.extract_strided_slice %slice3A_770 {offsets = [3432, 0], sizes = [264, 128], strides = [1, 1]} : vector<5544x128xf32> to vector<264x128xf32>
    %mul3A_956 = arith.constant 0.333333343 : f32
    %mul3A_957 = vector.broadcast %mul3A_956 : f32 to vector<264x128xf32>
    %mul3A_958 = arith.mulf %mul3A_957, %slice3A_955 : vector<264x128xf32>
    %slice3A_959 = vector.extract_strided_slice %slice3A_771 {offsets = [3696, 0], sizes = [264, 128], strides = [1, 1]} : vector<5544x128xf32> to vector<264x128xf32>
    %mul3A_960 = arith.constant 0.333333343 : f32
    %mul3A_961 = vector.broadcast %mul3A_960 : f32 to vector<264x128xf32>
    %mul3A_962 = arith.mulf %mul3A_961, %slice3A_959 : vector<264x128xf32>
    %add3A_963 = arith.addf %mul3A_958, %mul3A_962 : vector<264x128xf32>
    %slice3A_964 = vector.extract_strided_slice %slice3A_772 {offsets = [0, 0], sizes = [264, 128], strides = [1, 1]} : vector<5544x128xf32> to vector<264x128xf32>
    %mul3A_965 = arith.constant 0.333333343 : f32
    %mul3A_966 = vector.broadcast %mul3A_965 : f32 to vector<264x128xf32>
    %mul3A_967 = arith.mulf %mul3A_966, %slice3A_964 : vector<264x128xf32>
    %add3A_968 = arith.addf %add3A_963, %mul3A_967 : vector<264x128xf32>
    %slice3A_969 = vector.extract_strided_slice %slice3A_770 {offsets = [3696, 0], sizes = [264, 128], strides = [1, 1]} : vector<5544x128xf32> to vector<264x128xf32>
    %mul3A_970 = arith.constant 0.333333343 : f32
    %mul3A_971 = vector.broadcast %mul3A_970 : f32 to vector<264x128xf32>
    %mul3A_972 = arith.mulf %mul3A_971, %slice3A_969 : vector<264x128xf32>
    %slice3A_973 = vector.extract_strided_slice %slice3A_771 {offsets = [3960, 0], sizes = [264, 128], strides = [1, 1]} : vector<5544x128xf32> to vector<264x128xf32>
    %mul3A_974 = arith.constant 0.333333343 : f32
    %mul3A_975 = vector.broadcast %mul3A_974 : f32 to vector<264x128xf32>
    %mul3A_976 = arith.mulf %mul3A_975, %slice3A_973 : vector<264x128xf32>
    %add3A_977 = arith.addf %mul3A_972, %mul3A_976 : vector<264x128xf32>
    %slice3A_978 = vector.extract_strided_slice %slice3A_772 {offsets = [3432, 0], sizes = [264, 128], strides = [1, 1]} : vector<5544x128xf32> to vector<264x128xf32>
    %mul3A_979 = arith.constant 0.333333343 : f32
    %mul3A_980 = vector.broadcast %mul3A_979 : f32 to vector<264x128xf32>
    %mul3A_981 = arith.mulf %mul3A_980, %slice3A_978 : vector<264x128xf32>
    %add3A_982 = arith.addf %add3A_977, %mul3A_981 : vector<264x128xf32>
    %slice3A_983 = vector.extract_strided_slice %slice3A_770 {offsets = [3960, 0], sizes = [264, 128], strides = [1, 1]} : vector<5544x128xf32> to vector<264x128xf32>
    %mul3A_984 = arith.constant 0.333333343 : f32
    %mul3A_985 = vector.broadcast %mul3A_984 : f32 to vector<264x128xf32>
    %mul3A_986 = arith.mulf %mul3A_985, %slice3A_983 : vector<264x128xf32>
    %slice3A_987 = vector.extract_strided_slice %slice3A_771 {offsets = [4224, 0], sizes = [264, 128], strides = [1, 1]} : vector<5544x128xf32> to vector<264x128xf32>
    %mul3A_988 = arith.constant 0.333333343 : f32
    %mul3A_989 = vector.broadcast %mul3A_988 : f32 to vector<264x128xf32>
    %mul3A_990 = arith.mulf %mul3A_989, %slice3A_987 : vector<264x128xf32>
    %add3A_991 = arith.addf %mul3A_986, %mul3A_990 : vector<264x128xf32>
    %slice3A_992 = vector.extract_strided_slice %slice3A_772 {offsets = [3696, 0], sizes = [264, 128], strides = [1, 1]} : vector<5544x128xf32> to vector<264x128xf32>
    %mul3A_993 = arith.constant 0.333333343 : f32
    %mul3A_994 = vector.broadcast %mul3A_993 : f32 to vector<264x128xf32>
    %mul3A_995 = arith.mulf %mul3A_994, %slice3A_992 : vector<264x128xf32>
    %add3A_996 = arith.addf %add3A_991, %mul3A_995 : vector<264x128xf32>
    %slice3A_997 = vector.extract_strided_slice %slice3A_770 {offsets = [4224, 0], sizes = [264, 128], strides = [1, 1]} : vector<5544x128xf32> to vector<264x128xf32>
    %mul3A_998 = arith.constant 5.000000e-01 : f32
    %mul3A_999 = vector.broadcast %mul3A_998 : f32 to vector<264x128xf32>
    %mul3A_1000 = arith.mulf %mul3A_999, %slice3A_997 : vector<264x128xf32>
    %slice3A_1001 = vector.extract_strided_slice %slice3A_772 {offsets = [3960, 0], sizes = [264, 128], strides = [1, 1]} : vector<5544x128xf32> to vector<264x128xf32>
    %mul3A_1002 = arith.constant 5.000000e-01 : f32
    %mul3A_1003 = vector.broadcast %mul3A_1002 : f32 to vector<264x128xf32>
    %mul3A_1004 = arith.mulf %mul3A_1003, %slice3A_1001 : vector<264x128xf32>
    %add3A_1005 = arith.addf %mul3A_1000, %mul3A_1004 : vector<264x128xf32>
    %slice3A_1006 = vector.extract_strided_slice %slice3A_770 {offsets = [4488, 0], sizes = [264, 128], strides = [1, 1]} : vector<5544x128xf32> to vector<264x128xf32>
    %mul3A_1007 = arith.constant 0.333333343 : f32
    %mul3A_1008 = vector.broadcast %mul3A_1007 : f32 to vector<264x128xf32>
    %mul3A_1009 = arith.mulf %mul3A_1008, %slice3A_1006 : vector<264x128xf32>
    %slice3A_1010 = vector.extract_strided_slice %slice3A_771 {offsets = [4752, 0], sizes = [264, 128], strides = [1, 1]} : vector<5544x128xf32> to vector<264x128xf32>
    %mul3A_1011 = arith.constant 0.333333343 : f32
    %mul3A_1012 = vector.broadcast %mul3A_1011 : f32 to vector<264x128xf32>
    %mul3A_1013 = arith.mulf %mul3A_1012, %slice3A_1010 : vector<264x128xf32>
    %add3A_1014 = arith.addf %mul3A_1009, %mul3A_1013 : vector<264x128xf32>
    %slice3A_1015 = vector.extract_strided_slice %slice3A_772 {offsets = [0, 0], sizes = [264, 128], strides = [1, 1]} : vector<5544x128xf32> to vector<264x128xf32>
    %mul3A_1016 = arith.constant 0.333333343 : f32
    %mul3A_1017 = vector.broadcast %mul3A_1016 : f32 to vector<264x128xf32>
    %mul3A_1018 = arith.mulf %mul3A_1017, %slice3A_1015 : vector<264x128xf32>
    %add3A_1019 = arith.addf %add3A_1014, %mul3A_1018 : vector<264x128xf32>
    %slice3A_1020 = vector.extract_strided_slice %slice3A_770 {offsets = [4752, 0], sizes = [264, 128], strides = [1, 1]} : vector<5544x128xf32> to vector<264x128xf32>
    %mul3A_1021 = arith.constant 0.333333343 : f32
    %mul3A_1022 = vector.broadcast %mul3A_1021 : f32 to vector<264x128xf32>
    %mul3A_1023 = arith.mulf %mul3A_1022, %slice3A_1020 : vector<264x128xf32>
    %slice3A_1024 = vector.extract_strided_slice %slice3A_771 {offsets = [5016, 0], sizes = [264, 128], strides = [1, 1]} : vector<5544x128xf32> to vector<264x128xf32>
    %mul3A_1025 = arith.constant 0.333333343 : f32
    %mul3A_1026 = vector.broadcast %mul3A_1025 : f32 to vector<264x128xf32>
    %mul3A_1027 = arith.mulf %mul3A_1026, %slice3A_1024 : vector<264x128xf32>
    %add3A_1028 = arith.addf %mul3A_1023, %mul3A_1027 : vector<264x128xf32>
    %slice3A_1029 = vector.extract_strided_slice %slice3A_772 {offsets = [4488, 0], sizes = [264, 128], strides = [1, 1]} : vector<5544x128xf32> to vector<264x128xf32>
    %mul3A_1030 = arith.constant 0.333333343 : f32
    %mul3A_1031 = vector.broadcast %mul3A_1030 : f32 to vector<264x128xf32>
    %mul3A_1032 = arith.mulf %mul3A_1031, %slice3A_1029 : vector<264x128xf32>
    %add3A_1033 = arith.addf %add3A_1028, %mul3A_1032 : vector<264x128xf32>
    %slice3A_1034 = vector.extract_strided_slice %slice3A_770 {offsets = [5016, 0], sizes = [264, 128], strides = [1, 1]} : vector<5544x128xf32> to vector<264x128xf32>
    %mul3A_1035 = arith.constant 0.333333343 : f32
    %mul3A_1036 = vector.broadcast %mul3A_1035 : f32 to vector<264x128xf32>
    %mul3A_1037 = arith.mulf %mul3A_1036, %slice3A_1034 : vector<264x128xf32>
    %slice3A_1038 = vector.extract_strided_slice %slice3A_771 {offsets = [5280, 0], sizes = [264, 128], strides = [1, 1]} : vector<5544x128xf32> to vector<264x128xf32>
    %mul3A_1039 = arith.constant 0.333333343 : f32
    %mul3A_1040 = vector.broadcast %mul3A_1039 : f32 to vector<264x128xf32>
    %mul3A_1041 = arith.mulf %mul3A_1040, %slice3A_1038 : vector<264x128xf32>
    %add3A_1042 = arith.addf %mul3A_1037, %mul3A_1041 : vector<264x128xf32>
    %slice3A_1043 = vector.extract_strided_slice %slice3A_772 {offsets = [4752, 0], sizes = [264, 128], strides = [1, 1]} : vector<5544x128xf32> to vector<264x128xf32>
    %mul3A_1044 = arith.constant 0.333333343 : f32
    %mul3A_1045 = vector.broadcast %mul3A_1044 : f32 to vector<264x128xf32>
    %mul3A_1046 = arith.mulf %mul3A_1045, %slice3A_1043 : vector<264x128xf32>
    %add3A_1047 = arith.addf %add3A_1042, %mul3A_1046 : vector<264x128xf32>
    %slice3A_1048 = vector.extract_strided_slice %slice3A_770 {offsets = [5280, 0], sizes = [264, 128], strides = [1, 1]} : vector<5544x128xf32> to vector<264x128xf32>
    %mul3A_1049 = arith.constant 5.000000e-01 : f32
    %mul3A_1050 = vector.broadcast %mul3A_1049 : f32 to vector<264x128xf32>
    %mul3A_1051 = arith.mulf %mul3A_1050, %slice3A_1048 : vector<264x128xf32>
    %slice3A_1052 = vector.extract_strided_slice %slice3A_772 {offsets = [5016, 0], sizes = [264, 128], strides = [1, 1]} : vector<5544x128xf32> to vector<264x128xf32>
    %mul3A_1053 = arith.constant 5.000000e-01 : f32
    %mul3A_1054 = vector.broadcast %mul3A_1053 : f32 to vector<264x128xf32>
    %mul3A_1055 = arith.mulf %mul3A_1054, %slice3A_1052 : vector<264x128xf32>
    %add3A_1056 = arith.addf %mul3A_1051, %mul3A_1055 : vector<264x128xf32>
    %concatenate3A_1057 = tpu.concatenate %add3A_801, %add3A_815, %add3A_829, %add3A_843, %add3A_852, %add3A_866, %add3A_880, %add3A_894, %add3A_903, %add3A_917, %add3A_931, %add3A_945, %add3A_954, %add3A_968, %add3A_982, %add3A_996, %add3A_1005, %add3A_1019, %add3A_1033, %add3A_1047, %add3A_1056 in 0 : vector<264x128xf32>, vector<264x128xf32>, vector<264x128xf32>, vector<264x128xf32>, vector<264x128xf32>, vector<264x128xf32>, vector<264x128xf32>, vector<264x128xf32>, vector<264x128xf32>, vector<264x128xf32>, vector<264x128xf32>, vector<264x128xf32>, vector<264x128xf32>, vector<264x128xf32>, vector<264x128xf32>, vector<264x128xf32>, vector<264x128xf32>, vector<264x128xf32>, vector<264x128xf32>, vector<264x128xf32>, vector<264x128xf32> -> vector<5544x128xf32>
    %slice3A_1058 = vector.extract_strided_slice %concatenate3A_1057 {offsets = [0, 0], sizes = [5536, 128], strides = [1, 1]} : vector<5544x128xf32> to vector<5536x128xf32>
    %slice3A_1059 = vector.extract_strided_slice %concatenate3A_1057 {offsets = [1, 0], sizes = [5536, 128], strides = [1, 1]} : vector<5544x128xf32> to vector<5536x128xf32>
    %slice3A_1060 = vector.extract_strided_slice %concatenate3A_1057 {offsets = [2, 0], sizes = [5536, 128], strides = [1, 1]} : vector<5544x128xf32> to vector<5536x128xf32>
    %slice3A_1061 = vector.extract_strided_slice %concatenate3A_1057 {offsets = [3, 0], sizes = [5536, 128], strides = [1, 1]} : vector<5544x128xf32> to vector<5536x128xf32>
    %slice3A_1062 = vector.extract_strided_slice %concatenate3A_1057 {offsets = [4, 0], sizes = [5536, 128], strides = [1, 1]} : vector<5544x128xf32> to vector<5536x128xf32>
    %slice3A_1063 = vector.extract_strided_slice %concatenate3A_1057 {offsets = [5, 0], sizes = [5536, 128], strides = [1, 1]} : vector<5544x128xf32> to vector<5536x128xf32>
    %slice3A_1064 = vector.extract_strided_slice %concatenate3A_1057 {offsets = [6, 0], sizes = [5536, 128], strides = [1, 1]} : vector<5544x128xf32> to vector<5536x128xf32>
    %slice3A_1065 = vector.extract_strided_slice %concatenate3A_1057 {offsets = [7, 0], sizes = [5536, 128], strides = [1, 1]} : vector<5544x128xf32> to vector<5536x128xf32>
    %slice3A_1066 = vector.extract_strided_slice %concatenate3A_1057 {offsets = [8, 0], sizes = [5536, 128], strides = [1, 1]} : vector<5544x128xf32> to vector<5536x128xf32>
    %concatenate3A_1067 = tpu.concatenate %slice3A_1058, %slice3A_1059, %slice3A_1060, %slice3A_1061, %slice3A_1062, %slice3A_1063, %slice3A_1064, %slice3A_1065, %slice3A_1066 in 1 : vector<5536x128xf32>, vector<5536x128xf32>, vector<5536x128xf32>, vector<5536x128xf32>, vector<5536x128xf32>, vector<5536x128xf32>, vector<5536x128xf32>, vector<5536x128xf32>, vector<5536x128xf32> -> vector<5536x1152xf32>
    %get3A_1068 = arith.constant 0 : index
    %get3A_1069 = arith.constant 0 : index
    %get3A_1070 = vector.load %arg10[%get3A_1068, %get3A_1069] : memref<1152x128xf32, #tpu.memory_space<vmem>>, vector<1152x128xf32>
    %dot_general3A_1071 = arith.constant dense<0.000000e+00> : vector<5536x128xf32>
    %dot_general3A_1072 = tpu.matmul %concatenate3A_1067, %get3A_1070, %dot_general3A_1071 {dimension_numbers = #tpu.dot_dimension_numbers<[1], [0], [0], [1], [0, 0, 1, 1], [], []>, transpose_lhs_hint = false} : vector<5536x1152xf32>, vector<1152x128xf32>, vector<5536x128xf32> -> vector<5536x128xf32>
    %broadcast_in_dim3A_1073 = arith.constant 0.000000e+00 : f32
    %broadcast_in_dim3A_1074 = vector.broadcast %broadcast_in_dim3A_1073 : f32 to vector<4x128xf32>
    %broadcast_in_dim3A_1075 = arith.constant 0.000000e+00 : f32
    %broadcast_in_dim3A_1076 = vector.broadcast %broadcast_in_dim3A_1075 : f32 to vector<4x128xf32>
    %concatenate3A_1077 = tpu.concatenate %broadcast_in_dim3A_1074, %dot_general3A_1072, %broadcast_in_dim3A_1076 in 0 : vector<4x128xf32>, vector<5536x128xf32>, vector<4x128xf32> -> vector<5544x128xf32>
    %add3A_1078 = arith.addf %concatenate3A_1077, %mul3A_764 : vector<5544x128xf32>
    %max3A_1079 = arith.constant 0.000000e+00 : f32
    %max3A_1080 = vector.broadcast %max3A_1079 : f32 to vector<5544x128xf32>
    %max3A_1081 = arith.maximumf %add3A_1078, %max3A_1080 : vector<5544x128xf32>
    %lt3A = vector.broadcast %reduce_sum3A_64 : i32 to vector<5544x1xi32>
    %lt3A_1082 = arith.cmpi slt, %get3A_9, %lt3A : vector<5544x1xi32>
    %convert_element_type3A_1083 = arith.extui %lt3A_1082 : vector<5544x1xi1> to vector<5544x1xi32>
    %convert_element_type3A_1084 = arith.sitofp %convert_element_type3A_1083 : vector<5544x1xi32> to vector<5544x1xf32>
    %lt3A_1085 = vector.broadcast %reduce_sum3A_126 : i32 to vector<5544x1xi32>
    %lt3A_1086 = arith.cmpi slt, %get3A_9, %lt3A_1085 : vector<5544x1xi32>
    %convert_element_type3A_1087 = arith.extui %lt3A_1086 : vector<5544x1xi1> to vector<5544x1xi32>
    %convert_element_type3A_1088 = arith.sitofp %convert_element_type3A_1087 : vector<5544x1xi32> to vector<5544x1xf32>
    %slice3A_1089 = vector.extract_strided_slice %max3A_1081 {offsets = [0, 0], sizes = [5544, 64], strides = [1, 1]} : vector<5544x128xf32> to vector<5544x64xf32>
    %mul3A_1090 = vector.broadcast %convert_element_type3A_1084 : vector<5544x1xf32> to vector<5544x64xf32>
    %mul3A_1091 = arith.mulf %slice3A_1089, %mul3A_1090 : vector<5544x64xf32>
    %slice3A_1092 = vector.extract_strided_slice %max3A_1081 {offsets = [0, 64], sizes = [5544, 64], strides = [1, 1]} : vector<5544x128xf32> to vector<5544x64xf32>
    %mul3A_1093 = vector.broadcast %convert_element_type3A_1088 : vector<5544x1xf32> to vector<5544x64xf32>
    %mul3A_1094 = arith.mulf %slice3A_1092, %mul3A_1093 : vector<5544x64xf32>
    %slice3A_1095 = vector.extract_strided_slice %mul3A_1091 {offsets = [4, 0], sizes = [256, 64], strides = [1, 1]} : vector<5544x64xf32> to vector<256x64xf32>
    %swap3A = arith.constant 0 : index
    %swap3A_1096 = arith.constant 0 : index
    %swap3A_1097 = arith.constant 0 : index
    %swap3A_1098 = arith.constant 0 : index
    %swap3A_1099 = vector.load %arg11[%swap3A, %swap3A_1096, %swap3A_1097, %swap3A_1098] : memref<2x21x256x64xf32, #tpu.memory_space<vmem>>, vector<1x1x256x64xf32>
    %swap3A_1100 = vector.shape_cast %swap3A_1099 : vector<1x1x256x64xf32> to vector<256x64xf32>
    %swap3A_1101 = vector.shape_cast %slice3A_1095 : vector<256x64xf32> to vector<1x1x256x64xf32>
    tpu.vector_store %arg11[%swap3A, %swap3A_1096, %swap3A_1097, %swap3A_1098], %swap3A_1101 {strides = array<i32>} : memref<2x21x256x64xf32, #tpu.memory_space<vmem>>, vector<1x1x256x64xf32>,
    %slice3A_1102 = vector.extract_strided_slice %mul3A_1094 {offsets = [4, 0], sizes = [256, 64], strides = [1, 1]} : vector<5544x64xf32> to vector<256x64xf32>
    %swap3A_1103 = arith.constant 1 : index
    %swap3A_1104 = arith.constant 0 : index
    %swap3A_1105 = arith.constant 0 : index
    %swap3A_1106 = arith.constant 0 : index
    %swap3A_1107 = vector.load %arg11[%swap3A_1103, %swap3A_1104, %swap3A_1105, %swap3A_1106] : memref<2x21x256x64xf32, #tpu.memory_space<vmem>>, vector<1x1x256x64xf32>
    %swap3A_1108 = vector.shape_cast %swap3A_1107 : vector<1x1x256x64xf32> to vector<256x64xf32>
    %swap3A_1109 = vector.shape_cast %slice3A_1102 : vector<256x64xf32> to vector<1x1x256x64xf32>
    tpu.vector_store %arg11[%swap3A_1103, %swap3A_1104, %swap3A_1105, %swap3A_1106], %swap3A_1109 {strides = array<i32>} : memref<2x21x256x64xf32, #tpu.memory_space<vmem>>, vector<1x1x256x64xf32>,
    %slice3A_1110 = vector.extract_strided_slice %mul3A_1091 {offsets = [268, 0], sizes = [256, 64], strides = [1, 1]} : vector<5544x64xf32> to vector<256x64xf32>
    %swap3A_1111 = arith.constant 0 : index
    %swap3A_1112 = arith.constant 1 : index
    %swap3A_1113 = arith.constant 0 : index
    %swap3A_1114 = arith.constant 0 : index
    %swap3A_1115 = vector.load %arg11[%swap3A_1111, %swap3A_1112, %swap3A_1113, %swap3A_1114] : memref<2x21x256x64xf32, #tpu.memory_space<vmem>>, vector<1x1x256x64xf32>
    %swap3A_1116 = vector.shape_cast %swap3A_1115 : vector<1x1x256x64xf32> to vector<256x64xf32>
    %swap3A_1117 = vector.shape_cast %slice3A_1110 : vector<256x64xf32> to vector<1x1x256x64xf32>
    tpu.vector_store %arg11[%swap3A_1111, %swap3A_1112, %swap3A_1113, %swap3A_1114], %swap3A_1117 {strides = array<i32>} : memref<2x21x256x64xf32, #tpu.memory_space<vmem>>, vector<1x1x256x64xf32>,
    %slice3A_1118 = vector.extract_strided_slice %mul3A_1094 {offsets = [268, 0], sizes = [256, 64], strides = [1, 1]} : vector<5544x64xf32> to vector<256x64xf32>
    %swap3A_1119 = arith.constant 1 : index
    %swap3A_1120 = arith.constant 1 : index
    %swap3A_1121 = arith.constant 0 : index
    %swap3A_1122 = arith.constant 0 : index
    %swap3A_1123 = vector.load %arg11[%swap3A_1119, %swap3A_1120, %swap3A_1121, %swap3A_1122] : memref<2x21x256x64xf32, #tpu.memory_space<vmem>>, vector<1x1x256x64xf32>
    %swap3A_1124 = vector.shape_cast %swap3A_1123 : vector<1x1x256x64xf32> to vector<256x64xf32>
    %swap3A_1125 = vector.shape_cast %slice3A_1118 : vector<256x64xf32> to vector<1x1x256x64xf32>
    tpu.vector_store %arg11[%swap3A_1119, %swap3A_1120, %swap3A_1121, %swap3A_1122], %swap3A_1125 {strides = array<i32>} : memref<2x21x256x64xf32, #tpu.memory_space<vmem>>, vector<1x1x256x64xf32>,
    %slice3A_1126 = vector.extract_strided_slice %mul3A_1091 {offsets = [532, 0], sizes = [256, 64], strides = [1, 1]} : vector<5544x64xf32> to vector<256x64xf32>
    %swap3A_1127 = arith.constant 0 : index
    %swap3A_1128 = arith.constant 2 : index
    %swap3A_1129 = arith.constant 0 : index
    %swap3A_1130 = arith.constant 0 : index
    %swap3A_1131 = vector.load %arg11[%swap3A_1127, %swap3A_1128, %swap3A_1129, %swap3A_1130] : memref<2x21x256x64xf32, #tpu.memory_space<vmem>>, vector<1x1x256x64xf32>
    %swap3A_1132 = vector.shape_cast %swap3A_1131 : vector<1x1x256x64xf32> to vector<256x64xf32>
    %swap3A_1133 = vector.shape_cast %slice3A_1126 : vector<256x64xf32> to vector<1x1x256x64xf32>
    tpu.vector_store %arg11[%swap3A_1127, %swap3A_1128, %swap3A_1129, %swap3A_1130], %swap3A_1133 {strides = array<i32>} : memref<2x21x256x64xf32, #tpu.memory_space<vmem>>, vector<1x1x256x64xf32>,
    %slice3A_1134 = vector.extract_strided_slice %mul3A_1094 {offsets = [532, 0], sizes = [256, 64], strides = [1, 1]} : vector<5544x64xf32> to vector<256x64xf32>
    %swap3A_1135 = arith.constant 1 : index
    %swap3A_1136 = arith.constant 2 : index
    %swap3A_1137 = arith.constant 0 : index
    %swap3A_1138 = arith.constant 0 : index
    %swap3A_1139 = vector.load %arg11[%swap3A_1135, %swap3A_1136, %swap3A_1137, %swap3A_1138] : memref<2x21x256x64xf32, #tpu.memory_space<vmem>>, vector<1x1x256x64xf32>
    %swap3A_1140 = vector.shape_cast %swap3A_1139 : vector<1x1x256x64xf32> to vector<256x64xf32>
    %swap3A_1141 = vector.shape_cast %slice3A_1134 : vector<256x64xf32> to vector<1x1x256x64xf32>
    tpu.vector_store %arg11[%swap3A_1135, %swap3A_1136, %swap3A_1137, %swap3A_1138], %swap3A_1141 {strides = array<i32>} : memref<2x21x256x64xf32, #tpu.memory_space<vmem>>, vector<1x1x256x64xf32>,
    %slice3A_1142 = vector.extract_strided_slice %mul3A_1091 {offsets = [796, 0], sizes = [256, 64], strides = [1, 1]} : vector<5544x64xf32> to vector<256x64xf32>
    %swap3A_1143 = arith.constant 0 : index
    %swap3A_1144 = arith.constant 3 : index
    %swap3A_1145 = arith.constant 0 : index
    %swap3A_1146 = arith.constant 0 : index
    %swap3A_1147 = vector.load %arg11[%swap3A_1143, %swap3A_1144, %swap3A_1145, %swap3A_1146] : memref<2x21x256x64xf32, #tpu.memory_space<vmem>>, vector<1x1x256x64xf32>
    %swap3A_1148 = vector.shape_cast %swap3A_1147 : vector<1x1x256x64xf32> to vector<256x64xf32>
    %swap3A_1149 = vector.shape_cast %slice3A_1142 : vector<256x64xf32> to vector<1x1x256x64xf32>
    tpu.vector_store %arg11[%swap3A_1143, %swap3A_1144, %swap3A_1145, %swap3A_1146], %swap3A_1149 {strides = array<i32>} : memref<2x21x256x64xf32, #tpu.memory_space<vmem>>, vector<1x1x256x64xf32>,
    %slice3A_1150 = vector.extract_strided_slice %mul3A_1094 {offsets = [796, 0], sizes = [256, 64], strides = [1, 1]} : vector<5544x64xf32> to vector<256x64xf32>
    %swap3A_1151 = arith.constant 1 : index
    %swap3A_1152 = arith.constant 3 : index
    %swap3A_1153 = arith.constant 0 : index
    %swap3A_1154 = arith.constant 0 : index
    %swap3A_1155 = vector.load %arg11[%swap3A_1151, %swap3A_1152, %swap3A_1153, %swap3A_1154] : memref<2x21x256x64xf32, #tpu.memory_space<vmem>>, vector<1x1x256x64xf32>
    %swap3A_1156 = vector.shape_cast %swap3A_1155 : vector<1x1x256x64xf32> to vector<256x64xf32>
    %swap3A_1157 = vector.shape_cast %slice3A_1150 : vector<256x64xf32> to vector<1x1x256x64xf32>
    tpu.vector_store %arg11[%swap3A_1151, %swap3A_1152, %swap3A_1153, %swap3A_1154], %swap3A_1157 {strides = array<i32>} : memref<2x21x256x64xf32, #tpu.memory_space<vmem>>, vector<1x1x256x64xf32>,
    %slice3A_1158 = vector.extract_strided_slice %mul3A_1091 {offsets = [1060, 0], sizes = [256, 64], strides = [1, 1]} : vector<5544x64xf32> to vector<256x64xf32>
    %swap3A_1159 = arith.constant 0 : index
    %swap3A_1160 = arith.constant 4 : index
    %swap3A_1161 = arith.constant 0 : index
    %swap3A_1162 = arith.constant 0 : index
    %swap3A_1163 = vector.load %arg11[%swap3A_1159, %swap3A_1160, %swap3A_1161, %swap3A_1162] : memref<2x21x256x64xf32, #tpu.memory_space<vmem>>, vector<1x1x256x64xf32>
    %swap3A_1164 = vector.shape_cast %swap3A_1163 : vector<1x1x256x64xf32> to vector<256x64xf32>
    %swap3A_1165 = vector.shape_cast %slice3A_1158 : vector<256x64xf32> to vector<1x1x256x64xf32>
    tpu.vector_store %arg11[%swap3A_1159, %swap3A_1160, %swap3A_1161, %swap3A_1162], %swap3A_1165 {strides = array<i32>} : memref<2x21x256x64xf32, #tpu.memory_space<vmem>>, vector<1x1x256x64xf32>,
    %slice3A_1166 = vector.extract_strided_slice %mul3A_1094 {offsets = [1060, 0], sizes = [256, 64], strides = [1, 1]} : vector<5544x64xf32> to vector<256x64xf32>
    %swap3A_1167 = arith.constant 1 : index
    %swap3A_1168 = arith.constant 4 : index
    %swap3A_1169 = arith.constant 0 : index
    %swap3A_1170 = arith.constant 0 : index
    %swap3A_1171 = vector.load %arg11[%swap3A_1167, %swap3A_1168, %swap3A_1169, %swap3A_1170] : memref<2x21x256x64xf32, #tpu.memory_space<vmem>>, vector<1x1x256x64xf32>
    %swap3A_1172 = vector.shape_cast %swap3A_1171 : vector<1x1x256x64xf32> to vector<256x64xf32>
    %swap3A_1173 = vector.shape_cast %slice3A_1166 : vector<256x64xf32> to vector<1x1x256x64xf32>
    tpu.vector_store %arg11[%swap3A_1167, %swap3A_1168, %swap3A_1169, %swap3A_1170], %swap3A_1173 {strides = array<i32>} : memref<2x21x256x64xf32, #tpu.memory_space<vmem>>, vector<1x1x256x64xf32>,
    %slice3A_1174 = vector.extract_strided_slice %mul3A_1091 {offsets = [1324, 0], sizes = [256, 64], strides = [1, 1]} : vector<5544x64xf32> to vector<256x64xf32>
    %swap3A_1175 = arith.constant 0 : index
    %swap3A_1176 = arith.constant 5 : index
    %swap3A_1177 = arith.constant 0 : index
    %swap3A_1178 = arith.constant 0 : index
    %swap3A_1179 = vector.load %arg11[%swap3A_1175, %swap3A_1176, %swap3A_1177, %swap3A_1178] : memref<2x21x256x64xf32, #tpu.memory_space<vmem>>, vector<1x1x256x64xf32>
    %swap3A_1180 = vector.shape_cast %swap3A_1179 : vector<1x1x256x64xf32> to vector<256x64xf32>
    %swap3A_1181 = vector.shape_cast %slice3A_1174 : vector<256x64xf32> to vector<1x1x256x64xf32>
    tpu.vector_store %arg11[%swap3A_1175, %swap3A_1176, %swap3A_1177, %swap3A_1178], %swap3A_1181 {strides = array<i32>} : memref<2x21x256x64xf32, #tpu.memory_space<vmem>>, vector<1x1x256x64xf32>,
    %slice3A_1182 = vector.extract_strided_slice %mul3A_1094 {offsets = [1324, 0], sizes = [256, 64], strides = [1, 1]} : vector<5544x64xf32> to vector<256x64xf32>
    %swap3A_1183 = arith.constant 1 : index
    %swap3A_1184 = arith.constant 5 : index
    %swap3A_1185 = arith.constant 0 : index
    %swap3A_1186 = arith.constant 0 : index
    %swap3A_1187 = vector.load %arg11[%swap3A_1183, %swap3A_1184, %swap3A_1185, %swap3A_1186] : memref<2x21x256x64xf32, #tpu.memory_space<vmem>>, vector<1x1x256x64xf32>
    %swap3A_1188 = vector.shape_cast %swap3A_1187 : vector<1x1x256x64xf32> to vector<256x64xf32>
    %swap3A_1189 = vector.shape_cast %slice3A_1182 : vector<256x64xf32> to vector<1x1x256x64xf32>
    tpu.vector_store %arg11[%swap3A_1183, %swap3A_1184, %swap3A_1185, %swap3A_1186], %swap3A_1189 {strides = array<i32>} : memref<2x21x256x64xf32, #tpu.memory_space<vmem>>, vector<1x1x256x64xf32>,
    %slice3A_1190 = vector.extract_strided_slice %mul3A_1091 {offsets = [1588, 0], sizes = [256, 64], strides = [1, 1]} : vector<5544x64xf32> to vector<256x64xf32>
    %swap3A_1191 = arith.constant 0 : index
    %swap3A_1192 = arith.constant 6 : index
    %swap3A_1193 = arith.constant 0 : index
    %swap3A_1194 = arith.constant 0 : index
    %swap3A_1195 = vector.load %arg11[%swap3A_1191, %swap3A_1192, %swap3A_1193, %swap3A_1194] : memref<2x21x256x64xf32, #tpu.memory_space<vmem>>, vector<1x1x256x64xf32>
    %swap3A_1196 = vector.shape_cast %swap3A_1195 : vector<1x1x256x64xf32> to vector<256x64xf32>
    %swap3A_1197 = vector.shape_cast %slice3A_1190 : vector<256x64xf32> to vector<1x1x256x64xf32>
    tpu.vector_store %arg11[%swap3A_1191, %swap3A_1192, %swap3A_1193, %swap3A_1194], %swap3A_1197 {strides = array<i32>} : memref<2x21x256x64xf32, #tpu.memory_space<vmem>>, vector<1x1x256x64xf32>,
    %slice3A_1198 = vector.extract_strided_slice %mul3A_1094 {offsets = [1588, 0], sizes = [256, 64], strides = [1, 1]} : vector<5544x64xf32> to vector<256x64xf32>
    %swap3A_1199 = arith.constant 1 : index
    %swap3A_1200 = arith.constant 6 : index
    %swap3A_1201 = arith.constant 0 : index
    %swap3A_1202 = arith.constant 0 : index
    %swap3A_1203 = vector.load %arg11[%swap3A_1199, %swap3A_1200, %swap3A_1201, %swap3A_1202] : memref<2x21x256x64xf32, #tpu.memory_space<vmem>>, vector<1x1x256x64xf32>
    %swap3A_1204 = vector.shape_cast %swap3A_1203 : vector<1x1x256x64xf32> to vector<256x64xf32>
    %swap3A_1205 = vector.shape_cast %slice3A_1198 : vector<256x64xf32> to vector<1x1x256x64xf32>
    tpu.vector_store %arg11[%swap3A_1199, %swap3A_1200, %swap3A_1201, %swap3A_1202], %swap3A_1205 {strides = array<i32>} : memref<2x21x256x64xf32, #tpu.memory_space<vmem>>, vector<1x1x256x64xf32>,
    %slice3A_1206 = vector.extract_strided_slice %mul3A_1091 {offsets = [1852, 0], sizes = [256, 64], strides = [1, 1]} : vector<5544x64xf32> to vector<256x64xf32>
    %swap3A_1207 = arith.constant 0 : index
    %swap3A_1208 = arith.constant 7 : index
    %swap3A_1209 = arith.constant 0 : index
    %swap3A_1210 = arith.constant 0 : index
    %swap3A_1211 = vector.load %arg11[%swap3A_1207, %swap3A_1208, %swap3A_1209, %swap3A_1210] : memref<2x21x256x64xf32, #tpu.memory_space<vmem>>, vector<1x1x256x64xf32>
    %swap3A_1212 = vector.shape_cast %swap3A_1211 : vector<1x1x256x64xf32> to vector<256x64xf32>
    %swap3A_1213 = vector.shape_cast %slice3A_1206 : vector<256x64xf32> to vector<1x1x256x64xf32>
    tpu.vector_store %arg11[%swap3A_1207, %swap3A_1208, %swap3A_1209, %swap3A_1210], %swap3A_1213 {strides = array<i32>} : memref<2x21x256x64xf32, #tpu.memory_space<vmem>>, vector<1x1x256x64xf32>,
    %slice3A_1214 = vector.extract_strided_slice %mul3A_1094 {offsets = [1852, 0], sizes = [256, 64], strides = [1, 1]} : vector<5544x64xf32> to vector<256x64xf32>
    %swap3A_1215 = arith.constant 1 : index
    %swap3A_1216 = arith.constant 7 : index
    %swap3A_1217 = arith.constant 0 : index
    %swap3A_1218 = arith.constant 0 : index
    %swap3A_1219 = vector.load %arg11[%swap3A_1215, %swap3A_1216, %swap3A_1217, %swap3A_1218] : memref<2x21x256x64xf32, #tpu.memory_space<vmem>>, vector<1x1x256x64xf32>
    %swap3A_1220 = vector.shape_cast %swap3A_1219 : vector<1x1x256x64xf32> to vector<256x64xf32>
    %swap3A_1221 = vector.shape_cast %slice3A_1214 : vector<256x64xf32> to vector<1x1x256x64xf32>
    tpu.vector_store %arg11[%swap3A_1215, %swap3A_1216, %swap3A_1217, %swap3A_1218], %swap3A_1221 {strides = array<i32>} : memref<2x21x256x64xf32, #tpu.memory_space<vmem>>, vector<1x1x256x64xf32>,
    %slice3A_1222 = vector.extract_strided_slice %mul3A_1091 {offsets = [2116, 0], sizes = [256, 64], strides = [1, 1]} : vector<5544x64xf32> to vector<256x64xf32>
    %swap3A_1223 = arith.constant 0 : index
    %swap3A_1224 = arith.constant 8 : index
    %swap3A_1225 = arith.constant 0 : index
    %swap3A_1226 = arith.constant 0 : index
    %swap3A_1227 = vector.load %arg11[%swap3A_1223, %swap3A_1224, %swap3A_1225, %swap3A_1226] : memref<2x21x256x64xf32, #tpu.memory_space<vmem>>, vector<1x1x256x64xf32>
    %swap3A_1228 = vector.shape_cast %swap3A_1227 : vector<1x1x256x64xf32> to vector<256x64xf32>
    %swap3A_1229 = vector.shape_cast %slice3A_1222 : vector<256x64xf32> to vector<1x1x256x64xf32>
    tpu.vector_store %arg11[%swap3A_1223, %swap3A_1224, %swap3A_1225, %swap3A_1226], %swap3A_1229 {strides = array<i32>} : memref<2x21x256x64xf32, #tpu.memory_space<vmem>>, vector<1x1x256x64xf32>,
    %slice3A_1230 = vector.extract_strided_slice %mul3A_1094 {offsets = [2116, 0], sizes = [256, 64], strides = [1, 1]} : vector<5544x64xf32> to vector<256x64xf32>
    %swap3A_1231 = arith.constant 1 : index
    %swap3A_1232 = arith.constant 8 : index
    %swap3A_1233 = arith.constant 0 : index
    %swap3A_1234 = arith.constant 0 : index
    %swap3A_1235 = vector.load %arg11[%swap3A_1231, %swap3A_1232, %swap3A_1233, %swap3A_1234] : memref<2x21x256x64xf32, #tpu.memory_space<vmem>>, vector<1x1x256x64xf32>
    %swap3A_1236 = vector.shape_cast %swap3A_1235 : vector<1x1x256x64xf32> to vector<256x64xf32>
    %swap3A_1237 = vector.shape_cast %slice3A_1230 : vector<256x64xf32> to vector<1x1x256x64xf32>
    tpu.vector_store %arg11[%swap3A_1231, %swap3A_1232, %swap3A_1233, %swap3A_1234], %swap3A_1237 {strides = array<i32>} : memref<2x21x256x64xf32, #tpu.memory_space<vmem>>, vector<1x1x256x64xf32>,
    %slice3A_1238 = vector.extract_strided_slice %mul3A_1091 {offsets = [2380, 0], sizes = [256, 64], strides = [1, 1]} : vector<5544x64xf32> to vector<256x64xf32>
    %swap3A_1239 = arith.constant 0 : index
    %swap3A_1240 = arith.constant 9 : index
    %swap3A_1241 = arith.constant 0 : index
    %swap3A_1242 = arith.constant 0 : index
    %swap3A_1243 = vector.load %arg11[%swap3A_1239, %swap3A_1240, %swap3A_1241, %swap3A_1242] : memref<2x21x256x64xf32, #tpu.memory_space<vmem>>, vector<1x1x256x64xf32>
    %swap3A_1244 = vector.shape_cast %swap3A_1243 : vector<1x1x256x64xf32> to vector<256x64xf32>
    %swap3A_1245 = vector.shape_cast %slice3A_1238 : vector<256x64xf32> to vector<1x1x256x64xf32>
    tpu.vector_store %arg11[%swap3A_1239, %swap3A_1240, %swap3A_1241, %swap3A_1242], %swap3A_1245 {strides = array<i32>} : memref<2x21x256x64xf32, #tpu.memory_space<vmem>>, vector<1x1x256x64xf32>,
    %slice3A_1246 = vector.extract_strided_slice %mul3A_1094 {offsets = [2380, 0], sizes = [256, 64], strides = [1, 1]} : vector<5544x64xf32> to vector<256x64xf32>
    %swap3A_1247 = arith.constant 1 : index
    %swap3A_1248 = arith.constant 9 : index
    %swap3A_1249 = arith.constant 0 : index
    %swap3A_1250 = arith.constant 0 : index
    %swap3A_1251 = vector.load %arg11[%swap3A_1247, %swap3A_1248, %swap3A_1249, %swap3A_1250] : memref<2x21x256x64xf32, #tpu.memory_space<vmem>>, vector<1x1x256x64xf32>
    %swap3A_1252 = vector.shape_cast %swap3A_1251 : vector<1x1x256x64xf32> to vector<256x64xf32>
    %swap3A_1253 = vector.shape_cast %slice3A_1246 : vector<256x64xf32> to vector<1x1x256x64xf32>
    tpu.vector_store %arg11[%swap3A_1247, %swap3A_1248, %swap3A_1249, %swap3A_1250], %swap3A_1253 {strides = array<i32>} : memref<2x21x256x64xf32, #tpu.memory_space<vmem>>, vector<1x1x256x64xf32>,
    %slice3A_1254 = vector.extract_strided_slice %mul3A_1091 {offsets = [2644, 0], sizes = [256, 64], strides = [1, 1]} : vector<5544x64xf32> to vector<256x64xf32>
    %swap3A_1255 = arith.constant 0 : index
    %swap3A_1256 = arith.constant 10 : index
    %swap3A_1257 = arith.constant 0 : index
    %swap3A_1258 = arith.constant 0 : index
    %swap3A_1259 = vector.load %arg11[%swap3A_1255, %swap3A_1256, %swap3A_1257, %swap3A_1258] : memref<2x21x256x64xf32, #tpu.memory_space<vmem>>, vector<1x1x256x64xf32>
    %swap3A_1260 = vector.shape_cast %swap3A_1259 : vector<1x1x256x64xf32> to vector<256x64xf32>
    %swap3A_1261 = vector.shape_cast %slice3A_1254 : vector<256x64xf32> to vector<1x1x256x64xf32>
    tpu.vector_store %arg11[%swap3A_1255, %swap3A_1256, %swap3A_1257, %swap3A_1258], %swap3A_1261 {strides = array<i32>} : memref<2x21x256x64xf32, #tpu.memory_space<vmem>>, vector<1x1x256x64xf32>,
    %slice3A_1262 = vector.extract_strided_slice %mul3A_1094 {offsets = [2644, 0], sizes = [256, 64], strides = [1, 1]} : vector<5544x64xf32> to vector<256x64xf32>
    %swap3A_1263 = arith.constant 1 : index
    %swap3A_1264 = arith.constant 10 : index
    %swap3A_1265 = arith.constant 0 : index
    %swap3A_1266 = arith.constant 0 : index
    %swap3A_1267 = vector.load %arg11[%swap3A_1263, %swap3A_1264, %swap3A_1265, %swap3A_1266] : memref<2x21x256x64xf32, #tpu.memory_space<vmem>>, vector<1x1x256x64xf32>
    %swap3A_1268 = vector.shape_cast %swap3A_1267 : vector<1x1x256x64xf32> to vector<256x64xf32>
    %swap3A_1269 = vector.shape_cast %slice3A_1262 : vector<256x64xf32> to vector<1x1x256x64xf32>
    tpu.vector_store %arg11[%swap3A_1263, %swap3A_1264, %swap3A_1265, %swap3A_1266], %swap3A_1269 {strides = array<i32>} : memref<2x21x256x64xf32, #tpu.memory_space<vmem>>, vector<1x1x256x64xf32>,
    %slice3A_1270 = vector.extract_strided_slice %mul3A_1091 {offsets = [2908, 0], sizes = [256, 64], strides = [1, 1]} : vector<5544x64xf32> to vector<256x64xf32>
    %swap3A_1271 = arith.constant 0 : index
    %swap3A_1272 = arith.constant 11 : index
    %swap3A_1273 = arith.constant 0 : index
    %swap3A_1274 = arith.constant 0 : index
    %swap3A_1275 = vector.load %arg11[%swap3A_1271, %swap3A_1272, %swap3A_1273, %swap3A_1274] : memref<2x21x256x64xf32, #tpu.memory_space<vmem>>, vector<1x1x256x64xf32>
    %swap3A_1276 = vector.shape_cast %swap3A_1275 : vector<1x1x256x64xf32> to vector<256x64xf32>
    %swap3A_1277 = vector.shape_cast %slice3A_1270 : vector<256x64xf32> to vector<1x1x256x64xf32>
    tpu.vector_store %arg11[%swap3A_1271, %swap3A_1272, %swap3A_1273, %swap3A_1274], %swap3A_1277 {strides = array<i32>} : memref<2x21x256x64xf32, #tpu.memory_space<vmem>>, vector<1x1x256x64xf32>,
    %slice3A_1278 = vector.extract_strided_slice %mul3A_1094 {offsets = [2908, 0], sizes = [256, 64], strides = [1, 1]} : vector<5544x64xf32> to vector<256x64xf32>
    %swap3A_1279 = arith.constant 1 : index
    %swap3A_1280 = arith.constant 11 : index
    %swap3A_1281 = arith.constant 0 : index
    %swap3A_1282 = arith.constant 0 : index
    %swap3A_1283 = vector.load %arg11[%swap3A_1279, %swap3A_1280, %swap3A_1281, %swap3A_1282] : memref<2x21x256x64xf32, #tpu.memory_space<vmem>>, vector<1x1x256x64xf32>
    %swap3A_1284 = vector.shape_cast %swap3A_1283 : vector<1x1x256x64xf32> to vector<256x64xf32>
    %swap3A_1285 = vector.shape_cast %slice3A_1278 : vector<256x64xf32> to vector<1x1x256x64xf32>
    tpu.vector_store %arg11[%swap3A_1279, %swap3A_1280, %swap3A_1281, %swap3A_1282], %swap3A_1285 {strides = array<i32>} : memref<2x21x256x64xf32, #tpu.memory_space<vmem>>, vector<1x1x256x64xf32>,
    %slice3A_1286 = vector.extract_strided_slice %mul3A_1091 {offsets = [3172, 0], sizes = [256, 64], strides = [1, 1]} : vector<5544x64xf32> to vector<256x64xf32>
    %swap3A_1287 = arith.constant 0 : index
    %swap3A_1288 = arith.constant 12 : index
    %swap3A_1289 = arith.constant 0 : index
    %swap3A_1290 = arith.constant 0 : index
    %swap3A_1291 = vector.load %arg11[%swap3A_1287, %swap3A_1288, %swap3A_1289, %swap3A_1290] : memref<2x21x256x64xf32, #tpu.memory_space<vmem>>, vector<1x1x256x64xf32>
    %swap3A_1292 = vector.shape_cast %swap3A_1291 : vector<1x1x256x64xf32> to vector<256x64xf32>
    %swap3A_1293 = vector.shape_cast %slice3A_1286 : vector<256x64xf32> to vector<1x1x256x64xf32>
    tpu.vector_store %arg11[%swap3A_1287, %swap3A_1288, %swap3A_1289, %swap3A_1290], %swap3A_1293 {strides = array<i32>} : memref<2x21x256x64xf32, #tpu.memory_space<vmem>>, vector<1x1x256x64xf32>,
    %slice3A_1294 = vector.extract_strided_slice %mul3A_1094 {offsets = [3172, 0], sizes = [256, 64], strides = [1, 1]} : vector<5544x64xf32> to vector<256x64xf32>
    %swap3A_1295 = arith.constant 1 : index
    %swap3A_1296 = arith.constant 12 : index
    %swap3A_1297 = arith.constant 0 : index
    %swap3A_1298 = arith.constant 0 : index
    %swap3A_1299 = vector.load %arg11[%swap3A_1295, %swap3A_1296, %swap3A_1297, %swap3A_1298] : memref<2x21x256x64xf32, #tpu.memory_space<vmem>>, vector<1x1x256x64xf32>
    %swap3A_1300 = vector.shape_cast %swap3A_1299 : vector<1x1x256x64xf32> to vector<256x64xf32>
    %swap3A_1301 = vector.shape_cast %slice3A_1294 : vector<256x64xf32> to vector<1x1x256x64xf32>
    tpu.vector_store %arg11[%swap3A_1295, %swap3A_1296, %swap3A_1297, %swap3A_1298], %swap3A_1301 {strides = array<i32>} : memref<2x21x256x64xf32, #tpu.memory_space<vmem>>, vector<1x1x256x64xf32>,
    %slice3A_1302 = vector.extract_strided_slice %mul3A_1091 {offsets = [3436, 0], sizes = [256, 64], strides = [1, 1]} : vector<5544x64xf32> to vector<256x64xf32>
    %swap3A_1303 = arith.constant 0 : index
    %swap3A_1304 = arith.constant 13 : index
    %swap3A_1305 = arith.constant 0 : index
    %swap3A_1306 = arith.constant 0 : index
    %swap3A_1307 = vector.load %arg11[%swap3A_1303, %swap3A_1304, %swap3A_1305, %swap3A_1306] : memref<2x21x256x64xf32, #tpu.memory_space<vmem>>, vector<1x1x256x64xf32>
    %swap3A_1308 = vector.shape_cast %swap3A_1307 : vector<1x1x256x64xf32> to vector<256x64xf32>
    %swap3A_1309 = vector.shape_cast %slice3A_1302 : vector<256x64xf32> to vector<1x1x256x64xf32>
    tpu.vector_store %arg11[%swap3A_1303, %swap3A_1304, %swap3A_1305, %swap3A_1306], %swap3A_1309 {strides = array<i32>} : memref<2x21x256x64xf32, #tpu.memory_space<vmem>>, vector<1x1x256x64xf32>,
    %slice3A_1310 = vector.extract_strided_slice %mul3A_1094 {offsets = [3436, 0], sizes = [256, 64], strides = [1, 1]} : vector<5544x64xf32> to vector<256x64xf32>
    %swap3A_1311 = arith.constant 1 : index
    %swap3A_1312 = arith.constant 13 : index
    %swap3A_1313 = arith.constant 0 : index
    %swap3A_1314 = arith.constant 0 : index
    %swap3A_1315 = vector.load %arg11[%swap3A_1311, %swap3A_1312, %swap3A_1313, %swap3A_1314] : memref<2x21x256x64xf32, #tpu.memory_space<vmem>>, vector<1x1x256x64xf32>
    %swap3A_1316 = vector.shape_cast %swap3A_1315 : vector<1x1x256x64xf32> to vector<256x64xf32>
    %swap3A_1317 = vector.shape_cast %slice3A_1310 : vector<256x64xf32> to vector<1x1x256x64xf32>
    tpu.vector_store %arg11[%swap3A_1311, %swap3A_1312, %swap3A_1313, %swap3A_1314], %swap3A_1317 {strides = array<i32>} : memref<2x21x256x64xf32, #tpu.memory_space<vmem>>, vector<1x1x256x64xf32>,
    %slice3A_1318 = vector.extract_strided_slice %mul3A_1091 {offsets = [3700, 0], sizes = [256, 64], strides = [1, 1]} : vector<5544x64xf32> to vector<256x64xf32>
    %swap3A_1319 = arith.constant 0 : index
    %swap3A_1320 = arith.constant 14 : index
    %swap3A_1321 = arith.constant 0 : index
    %swap3A_1322 = arith.constant 0 : index
    %swap3A_1323 = vector.load %arg11[%swap3A_1319, %swap3A_1320, %swap3A_1321, %swap3A_1322] : memref<2x21x256x64xf32, #tpu.memory_space<vmem>>, vector<1x1x256x64xf32>
    %swap3A_1324 = vector.shape_cast %swap3A_1323 : vector<1x1x256x64xf32> to vector<256x64xf32>
    %swap3A_1325 = vector.shape_cast %slice3A_1318 : vector<256x64xf32> to vector<1x1x256x64xf32>
    tpu.vector_store %arg11[%swap3A_1319, %swap3A_1320, %swap3A_1321, %swap3A_1322], %swap3A_1325 {strides = array<i32>} : memref<2x21x256x64xf32, #tpu.memory_space<vmem>>, vector<1x1x256x64xf32>,
    %slice3A_1326 = vector.extract_strided_slice %mul3A_1094 {offsets = [3700, 0], sizes = [256, 64], strides = [1, 1]} : vector<5544x64xf32> to vector<256x64xf32>
    %swap3A_1327 = arith.constant 1 : index
    %swap3A_1328 = arith.constant 14 : index
    %swap3A_1329 = arith.constant 0 : index
    %swap3A_1330 = arith.constant 0 : index
    %swap3A_1331 = vector.load %arg11[%swap3A_1327, %swap3A_1328, %swap3A_1329, %swap3A_1330] : memref<2x21x256x64xf32, #tpu.memory_space<vmem>>, vector<1x1x256x64xf32>
    %swap3A_1332 = vector.shape_cast %swap3A_1331 : vector<1x1x256x64xf32> to vector<256x64xf32>
    %swap3A_1333 = vector.shape_cast %slice3A_1326 : vector<256x64xf32> to vector<1x1x256x64xf32>
    tpu.vector_store %arg11[%swap3A_1327, %swap3A_1328, %swap3A_1329, %swap3A_1330], %swap3A_1333 {strides = array<i32>} : memref<2x21x256x64xf32, #tpu.memory_space<vmem>>, vector<1x1x256x64xf32>,
    %slice3A_1334 = vector.extract_strided_slice %mul3A_1091 {offsets = [3964, 0], sizes = [256, 64], strides = [1, 1]} : vector<5544x64xf32> to vector<256x64xf32>
    %swap3A_1335 = arith.constant 0 : index
    %swap3A_1336 = arith.constant 15 : index
    %swap3A_1337 = arith.constant 0 : index
    %swap3A_1338 = arith.constant 0 : index
    %swap3A_1339 = vector.load %arg11[%swap3A_1335, %swap3A_1336, %swap3A_1337, %swap3A_1338] : memref<2x21x256x64xf32, #tpu.memory_space<vmem>>, vector<1x1x256x64xf32>
    %swap3A_1340 = vector.shape_cast %swap3A_1339 : vector<1x1x256x64xf32> to vector<256x64xf32>
    %swap3A_1341 = vector.shape_cast %slice3A_1334 : vector<256x64xf32> to vector<1x1x256x64xf32>
    tpu.vector_store %arg11[%swap3A_1335, %swap3A_1336, %swap3A_1337, %swap3A_1338], %swap3A_1341 {strides = array<i32>} : memref<2x21x256x64xf32, #tpu.memory_space<vmem>>, vector<1x1x256x64xf32>,
    %slice3A_1342 = vector.extract_strided_slice %mul3A_1094 {offsets = [3964, 0], sizes = [256, 64], strides = [1, 1]} : vector<5544x64xf32> to vector<256x64xf32>
    %swap3A_1343 = arith.constant 1 : index
    %swap3A_1344 = arith.constant 15 : index
    %swap3A_1345 = arith.constant 0 : index
    %swap3A_1346 = arith.constant 0 : index
    %swap3A_1347 = vector.load %arg11[%swap3A_1343, %swap3A_1344, %swap3A_1345, %swap3A_1346] : memref<2x21x256x64xf32, #tpu.memory_space<vmem>>, vector<1x1x256x64xf32>
    %swap3A_1348 = vector.shape_cast %swap3A_1347 : vector<1x1x256x64xf32> to vector<256x64xf32>
    %swap3A_1349 = vector.shape_cast %slice3A_1342 : vector<256x64xf32> to vector<1x1x256x64xf32>
    tpu.vector_store %arg11[%swap3A_1343, %swap3A_1344, %swap3A_1345, %swap3A_1346], %swap3A_1349 {strides = array<i32>} : memref<2x21x256x64xf32, #tpu.memory_space<vmem>>, vector<1x1x256x64xf32>,
    %slice3A_1350 = vector.extract_strided_slice %mul3A_1091 {offsets = [4228, 0], sizes = [256, 64], strides = [1, 1]} : vector<5544x64xf32> to vector<256x64xf32>
    %swap3A_1351 = arith.constant 0 : index
    %swap3A_1352 = arith.constant 16 : index
    %swap3A_1353 = arith.constant 0 : index
    %swap3A_1354 = arith.constant 0 : index
    %swap3A_1355 = vector.load %arg11[%swap3A_1351, %swap3A_1352, %swap3A_1353, %swap3A_1354] : memref<2x21x256x64xf32, #tpu.memory_space<vmem>>, vector<1x1x256x64xf32>
    %swap3A_1356 = vector.shape_cast %swap3A_1355 : vector<1x1x256x64xf32> to vector<256x64xf32>
    %swap3A_1357 = vector.shape_cast %slice3A_1350 : vector<256x64xf32> to vector<1x1x256x64xf32>
    tpu.vector_store %arg11[%swap3A_1351, %swap3A_1352, %swap3A_1353, %swap3A_1354], %swap3A_1357 {strides = array<i32>} : memref<2x21x256x64xf32, #tpu.memory_space<vmem>>, vector<1x1x256x64xf32>,
    %slice3A_1358 = vector.extract_strided_slice %mul3A_1094 {offsets = [4228, 0], sizes = [256, 64], strides = [1, 1]} : vector<5544x64xf32> to vector<256x64xf32>
    %swap3A_1359 = arith.constant 1 : index
    %swap3A_1360 = arith.constant 16 : index
    %swap3A_1361 = arith.constant 0 : index
    %swap3A_1362 = arith.constant 0 : index
    %swap3A_1363 = vector.load %arg11[%swap3A_1359, %swap3A_1360, %swap3A_1361, %swap3A_1362] : memref<2x21x256x64xf32, #tpu.memory_space<vmem>>, vector<1x1x256x64xf32>
    %swap3A_1364 = vector.shape_cast %swap3A_1363 : vector<1x1x256x64xf32> to vector<256x64xf32>
    %swap3A_1365 = vector.shape_cast %slice3A_1358 : vector<256x64xf32> to vector<1x1x256x64xf32>
    tpu.vector_store %arg11[%swap3A_1359, %swap3A_1360, %swap3A_1361, %swap3A_1362], %swap3A_1365 {strides = array<i32>} : memref<2x21x256x64xf32, #tpu.memory_space<vmem>>, vector<1x1x256x64xf32>,
    %slice3A_1366 = vector.extract_strided_slice %mul3A_1091 {offsets = [4492, 0], sizes = [256, 64], strides = [1, 1]} : vector<5544x64xf32> to vector<256x64xf32>
    %swap3A_1367 = arith.constant 0 : index
    %swap3A_1368 = arith.constant 17 : index
    %swap3A_1369 = arith.constant 0 : index
    %swap3A_1370 = arith.constant 0 : index
    %swap3A_1371 = vector.load %arg11[%swap3A_1367, %swap3A_1368, %swap3A_1369, %swap3A_1370] : memref<2x21x256x64xf32, #tpu.memory_space<vmem>>, vector<1x1x256x64xf32>
    %swap3A_1372 = vector.shape_cast %swap3A_1371 : vector<1x1x256x64xf32> to vector<256x64xf32>
    %swap3A_1373 = vector.shape_cast %slice3A_1366 : vector<256x64xf32> to vector<1x1x256x64xf32>
    tpu.vector_store %arg11[%swap3A_1367, %swap3A_1368, %swap3A_1369, %swap3A_1370], %swap3A_1373 {strides = array<i32>} : memref<2x21x256x64xf32, #tpu.memory_space<vmem>>, vector<1x1x256x64xf32>,
    %slice3A_1374 = vector.extract_strided_slice %mul3A_1094 {offsets = [4492, 0], sizes = [256, 64], strides = [1, 1]} : vector<5544x64xf32> to vector<256x64xf32>
    %swap3A_1375 = arith.constant 1 : index
    %swap3A_1376 = arith.constant 17 : index
    %swap3A_1377 = arith.constant 0 : index
    %swap3A_1378 = arith.constant 0 : index
    %swap3A_1379 = vector.load %arg11[%swap3A_1375, %swap3A_1376, %swap3A_1377, %swap3A_1378] : memref<2x21x256x64xf32, #tpu.memory_space<vmem>>, vector<1x1x256x64xf32>
    %swap3A_1380 = vector.shape_cast %swap3A_1379 : vector<1x1x256x64xf32> to vector<256x64xf32>
    %swap3A_1381 = vector.shape_cast %slice3A_1374 : vector<256x64xf32> to vector<1x1x256x64xf32>
    tpu.vector_store %arg11[%swap3A_1375, %swap3A_1376, %swap3A_1377, %swap3A_1378], %swap3A_1381 {strides = array<i32>} : memref<2x21x256x64xf32, #tpu.memory_space<vmem>>, vector<1x1x256x64xf32>,
    %slice3A_1382 = vector.extract_strided_slice %mul3A_1091 {offsets = [4756, 0], sizes = [256, 64], strides = [1, 1]} : vector<5544x64xf32> to vector<256x64xf32>
    %swap3A_1383 = arith.constant 0 : index
    %swap3A_1384 = arith.constant 18 : index
    %swap3A_1385 = arith.constant 0 : index
    %swap3A_1386 = arith.constant 0 : index
    %swap3A_1387 = vector.load %arg11[%swap3A_1383, %swap3A_1384, %swap3A_1385, %swap3A_1386] : memref<2x21x256x64xf32, #tpu.memory_space<vmem>>, vector<1x1x256x64xf32>
    %swap3A_1388 = vector.shape_cast %swap3A_1387 : vector<1x1x256x64xf32> to vector<256x64xf32>
    %swap3A_1389 = vector.shape_cast %slice3A_1382 : vector<256x64xf32> to vector<1x1x256x64xf32>
    tpu.vector_store %arg11[%swap3A_1383, %swap3A_1384, %swap3A_1385, %swap3A_1386], %swap3A_1389 {strides = array<i32>} : memref<2x21x256x64xf32, #tpu.memory_space<vmem>>, vector<1x1x256x64xf32>,
    %slice3A_1390 = vector.extract_strided_slice %mul3A_1094 {offsets = [4756, 0], sizes = [256, 64], strides = [1, 1]} : vector<5544x64xf32> to vector<256x64xf32>
    %swap3A_1391 = arith.constant 1 : index
    %swap3A_1392 = arith.constant 18 : index
    %swap3A_1393 = arith.constant 0 : index
    %swap3A_1394 = arith.constant 0 : index
    %swap3A_1395 = vector.load %arg11[%swap3A_1391, %swap3A_1392, %swap3A_1393, %swap3A_1394] : memref<2x21x256x64xf32, #tpu.memory_space<vmem>>, vector<1x1x256x64xf32>
    %swap3A_1396 = vector.shape_cast %swap3A_1395 : vector<1x1x256x64xf32> to vector<256x64xf32>
    %swap3A_1397 = vector.shape_cast %slice3A_1390 : vector<256x64xf32> to vector<1x1x256x64xf32>
    tpu.vector_store %arg11[%swap3A_1391, %swap3A_1392, %swap3A_1393, %swap3A_1394], %swap3A_1397 {strides = array<i32>} : memref<2x21x256x64xf32, #tpu.memory_space<vmem>>, vector<1x1x256x64xf32>,
    %slice3A_1398 = vector.extract_strided_slice %mul3A_1091 {offsets = [5020, 0], sizes = [256, 64], strides = [1, 1]} : vector<5544x64xf32> to vector<256x64xf32>
    %swap3A_1399 = arith.constant 0 : index
    %swap3A_1400 = arith.constant 19 : index
    %swap3A_1401 = arith.constant 0 : index
    %swap3A_1402 = arith.constant 0 : index
    %swap3A_1403 = vector.load %arg11[%swap3A_1399, %swap3A_1400, %swap3A_1401, %swap3A_1402] : memref<2x21x256x64xf32, #tpu.memory_space<vmem>>, vector<1x1x256x64xf32>
    %swap3A_1404 = vector.shape_cast %swap3A_1403 : vector<1x1x256x64xf32> to vector<256x64xf32>
    %swap3A_1405 = vector.shape_cast %slice3A_1398 : vector<256x64xf32> to vector<1x1x256x64xf32>
    tpu.vector_store %arg11[%swap3A_1399, %swap3A_1400, %swap3A_1401, %swap3A_1402], %swap3A_1405 {strides = array<i32>} : memref<2x21x256x64xf32, #tpu.memory_space<vmem>>, vector<1x1x256x64xf32>,
    %slice3A_1406 = vector.extract_strided_slice %mul3A_1094 {offsets = [5020, 0], sizes = [256, 64], strides = [1, 1]} : vector<5544x64xf32> to vector<256x64xf32>
    %swap3A_1407 = arith.constant 1 : index
    %swap3A_1408 = arith.constant 19 : index
    %swap3A_1409 = arith.constant 0 : index
    %swap3A_1410 = arith.constant 0 : index
    %swap3A_1411 = vector.load %arg11[%swap3A_1407, %swap3A_1408, %swap3A_1409, %swap3A_1410] : memref<2x21x256x64xf32, #tpu.memory_space<vmem>>, vector<1x1x256x64xf32>
    %swap3A_1412 = vector.shape_cast %swap3A_1411 : vector<1x1x256x64xf32> to vector<256x64xf32>
    %swap3A_1413 = vector.shape_cast %slice3A_1406 : vector<256x64xf32> to vector<1x1x256x64xf32>
    tpu.vector_store %arg11[%swap3A_1407, %swap3A_1408, %swap3A_1409, %swap3A_1410], %swap3A_1413 {strides = array<i32>} : memref<2x21x256x64xf32, #tpu.memory_space<vmem>>, vector<1x1x256x64xf32>,
    %slice3A_1414 = vector.extract_strided_slice %mul3A_1091 {offsets = [5284, 0], sizes = [256, 64], strides = [1, 1]} : vector<5544x64xf32> to vector<256x64xf32>
    %swap3A_1415 = arith.constant 0 : index
    %swap3A_1416 = arith.constant 20 : index
    %swap3A_1417 = arith.constant 0 : index
    %swap3A_1418 = arith.constant 0 : index
    %swap3A_1419 = vector.load %arg11[%swap3A_1415, %swap3A_1416, %swap3A_1417, %swap3A_1418] : memref<2x21x256x64xf32, #tpu.memory_space<vmem>>, vector<1x1x256x64xf32>
    %swap3A_1420 = vector.shape_cast %swap3A_1419 : vector<1x1x256x64xf32> to vector<256x64xf32>
    %swap3A_1421 = vector.shape_cast %slice3A_1414 : vector<256x64xf32> to vector<1x1x256x64xf32>
    tpu.vector_store %arg11[%swap3A_1415, %swap3A_1416, %swap3A_1417, %swap3A_1418], %swap3A_1421 {strides = array<i32>} : memref<2x21x256x64xf32, #tpu.memory_space<vmem>>, vector<1x1x256x64xf32>,
    %slice3A_1422 = vector.extract_strided_slice %mul3A_1094 {offsets = [5284, 0], sizes = [256, 64], strides = [1, 1]} : vector<5544x64xf32> to vector<256x64xf32>
    %swap3A_1423 = arith.constant 1 : index
    %swap3A_1424 = arith.constant 20 : index
    %swap3A_1425 = arith.constant 0 : index
    %swap3A_1426 = arith.constant 0 : index
    %swap3A_1427 = vector.load %arg11[%swap3A_1423, %swap3A_1424, %swap3A_1425, %swap3A_1426] : memref<2x21x256x64xf32, #tpu.memory_space<vmem>>, vector<1x1x256x64xf32>
    %swap3A_1428 = vector.shape_cast %swap3A_1427 : vector<1x1x256x64xf32> to vector<256x64xf32>
    %swap3A_1429 = vector.shape_cast %slice3A_1422 : vector<256x64xf32> to vector<1x1x256x64xf32>
    tpu.vector_store %arg11[%swap3A_1423, %swap3A_1424, %swap3A_1425, %swap3A_1426], %swap3A_1429 {strides = array<i32>} : memref<2x21x256x64xf32, #tpu.memory_space<vmem>>, vector<1x1x256x64xf32>,
    return
  }
  func.func @transform_0(%arg0: i32) -> (i32, i32, i32) {
    %c0_i32 = arith.constant 0 : i32
    %c0_i32_0 = arith.constant 0 : i32
    %c0_i32_1 = arith.constant 0 : i32
    return %arg0, %c0_i32, %c0_i32_0 : i32, i32, i32
  }
  func.func @transform_1(%arg0: i32) -> (i32, i32) {
    %c0_i32 = arith.constant 0 : i32
    %c0_i32_0 = arith.constant 0 : i32
    %c0_i32_1 = arith.constant 0 : i32
    return %c0_i32, %c0_i32_0 : i32, i32
  }
  func.func @transform_2(%arg0: i32) -> (i32, i32) {
    %c0_i32 = arith.constant 0 : i32
    %c0_i32_0 = arith.constant 0 : i32
    %c0_i32_1 = arith.constant 0 : i32
    return %c0_i32, %c0_i32_0 : i32, i32
  }
  func.func @transform_3(%arg0: i32) -> (i32, i32) {
    %c0_i32 = arith.constant 0 : i32
    %c0_i32_0 = arith.constant 0 : i32
    %c0_i32_1 = arith.constant 0 : i32
    return %c0_i32, %c0_i32_0 : i32, i32
  }
  func.func @transform_4(%arg0: i32) -> (i32, i32) {
    %c0_i32 = arith.constant 0 : i32
    %c0_i32_0 = arith.constant 0 : i32
    %c0_i32_1 = arith.constant 0 : i32
    return %c0_i32, %c0_i32_0 : i32, i32
  }
  func.func @transform_5(%arg0: i32) -> (i32, i32) {
    %c0_i32 = arith.constant 0 : i32
    %c0_i32_0 = arith.constant 0 : i32
    %c0_i32_1 = arith.constant 0 : i32
    return %c0_i32, %c0_i32_0 : i32, i32
  }
  func.func @transform_6(%arg0: i32) -> (i32, i32) {
    %c0_i32 = arith.constant 0 : i32
    %c0_i32_0 = arith.constant 0 : i32
    %c0_i32_1 = arith.constant 0 : i32
    return %c0_i32, %c0_i32_0 : i32, i32
  }
  func.func @transform_7(%arg0: i32) -> (i32, i32) {
    %c0_i32 = arith.constant 0 : i32
    %c0_i32_0 = arith.constant 0 : i32
    %c0_i32_1 = arith.constant 0 : i32
    return %c0_i32, %c0_i32_0 : i32, i32
  }
  func.func @transform_8(%arg0: i32) -> (i32, i32) {
    %c0_i32 = arith.constant 0 : i32
    %c0_i32_0 = arith.constant 0 : i32
    %c0_i32_1 = arith.constant 0 : i32
    return %c0_i32, %c0_i32_0 : i32, i32
  }
  func.func @transform_9(%arg0: i32) -> (i32, i32) {
    %c0_i32 = arith.constant 0 : i32
    %c0_i32_0 = arith.constant 0 : i32
    %c0_i32_1 = arith.constant 0 : i32
    return %c0_i32, %c0_i32_0 : i32, i32
  }
  func.func @transform_10(%arg0: i32) -> (i32, i32, i32, i32) {
    %c0_i32 = arith.constant 0 : i32
    %c0_i32_0 = arith.constant 0 : i32
    %c0_i32_1 = arith.constant 0 : i32
    %c0_i32_2 = arith.constant 0 : i32
    return %arg0, %c0_i32, %c0_i32_0, %c0_i32_1 : i32, i32, i32, i32
  }
}

</mosaic_0001>

<sc_bundles>
// kernel: sparse-core-data-format-call.cloned.1.call-start
scs
called_computation_lowered:
.L_overlay_start_0:
0x0: {  	s2 =	sld [smem:$0x3FD9]  }
0x1: {  	s3 =	sld [smem:$0x3FFE];
	_ =	sdelay $0x1  }
0x2: {  	s1 =	srdreg.scid  }
0x3: {  	s0 =	sand.u32 $0x1, s1  }
0x4: {  	s18 =	sshll.u32 s0, $0xA;
	s2 =	sadd.s32 s3, s2  }
0x5: {  	s2 =	sadd.s32 s2, s18  }
0x6: {  	[smem:$0x3FC0] =	sst s2  }
0x7: {  	_ = 	snop  }
0x8: {  	s2 =	sld [smem:$0x3FD0];
	(tm) =	ssettm $0x1  }
0x9: {  	s19 =	sld [smem:$0x3FFB];
	_ =	sdelay $0x3  }
0xa: {  	_ =	strace s19  }
0xb: {  	s3 =	sld [smem:$0x3FFC];
	_ =	sdelay $0x3  }
0xc: {  	_ =	strace s3  }
0xd: {  	s3 =	sld [smem:$0x3FFD];
	_ =	sdelay $0x3  }
0xe: {  	_ =	strace s3  }
0xf: {  	_ =	strace $0x8FFFFFFF  }
0x10: {  	s20 =	sld [smem:$0x3FDB];
	_ =	sdelay $0x1  }
0x11: {  	s4 =	simm.s32 $_scs_section_size  }
0x12: {  	s5 =	simm.s32 $_size__tile_overlayer_lowered;
	s6 =	simm.s32 $_tile_overlayer_lowered  }
0x13: {  	s23 =	simm.s32 $0x1BFF;
	s22 =	sshll.u32 s6, $0x1;
	s3 =	sadd.s32 s4, s20  }
0x14: {  	s7 =	simm.s32 $0x0;
	s21 =	sshll.u32 s5, $0x1;
	s5 =	sadd.s32 s22, s3  }
0x15: {  	[timem:s7], [sflag:s23] =	dma.local [hbm:s5], s21  }
0x16: {  	_ =	swait.ge [sflag:s23], s21  }
0x17: {  	s4 =	ssub.s32 $0x0, s21;
	[sflag:s23] =	ssyncset.done $0x0  }
0x18: {  	[sflag:s23] =	ssyncadd.s32 s4;
	_ =	sdelay $0x1  }
0x19: {  	s24 =	simm.s32 $0x1B8B  }
0x1a: {  	_ =	swait.ge [sflag:s24], $0x1  }
0x1b: {  	[sflag:s24] =	ssyncset.done $0x0  }
0x1c: {  	s26 =	simm.s32 $0x1B8E;
	s25 =	sld [smem:$0x3FFE];
	[sflag:s24] =	ssyncadd.s32 $0xFFFFFFFF  }
0x1d: {  	s27 =	simm.s32 $execute0_lowered;
	[smem:$0x3FD2] =	sst s26  }
0x1e: {  	s5 =	sshll.u32 s27, $0x1;
	_ =	strace $0x80000046;
	[dreg:$0x1] =	wrdreg $0xFFFFFFFF  }
0x1f: {  	s28 =	simm.s32 $_size_execute0_lowered;
	s3 =	sadd.s32 s3, s5;
	[dreg:$0x0] =	wrdreg $0x0  }
0x20: {  	s5 =	sshll.u32 s28, $0x1;
	[dreg:$0x2] =	wrdreg s3  }
0x21: {  	[dreg:$0x3] =	wrdreg s5  }
0x22: {  	[dreg:$0x4] =	wrdreg $0xC0  }
0x23: {  	_ =	task [dreg:s7], $0x5FFFF  }
0x24: {  	[dreg:$0x1] =	wrdreg $0xFFFFFFFF  }
0x25: {  	[dreg:$0x0] =	wrdreg $0x60  }
0x26: {  	[dreg:$0x2] =	wrdreg s25  }
0x27: {  	[dreg:$0x3] =	wrdreg s2  }
0x28: {  	[dreg:$0x4] =	wrdreg $0x9  }
0x29: {  	_ =	task.clear_ibuf [dreg:s7], $0x5FFFF;
	_ =	strace $0x90000046  }
0x2a: {  	s29 =	simm.s32 $0x9;
	_ =	strace $0x80000048  }
0x2b: {  	_ =	swait.ge [sflag:s29], $0x1  }
0x2c: {  	[sflag:s29] =	ssyncadd.s32 $0xFFFFFFFF  }
0x2d: {  	_ =	strace $0x90000048  }
0x2e: {  	_ =	sfence  }
0x2f: {  	s30 =	sld [smem:$0x0];
	_ =	sdelay $0x2  }
0x30: {  	s31 =	sshll.u32 s1, $0xD;
	s1 =	sshrl.u32 s1, $0x2  }
0x31: {  	s3 =	sand.u32 $0x4000, s31;
	s1 =	sadd.s32 s1, s30  }
0x32: {  	s0 =	sor.u32 s3, s0;
	s1 =	sshll.u32 s1, $0x11  }
0x33: {  	s0 =	sor.u32 s1, s0  }
0x34: {  	s0 =	sadd.s32 $0x8F2B, s0  }
0x35: {  	[sflag:s0] =	ssyncadd.remote.s32 $0x1  }
0x36: {  	_ =	sfence.sel $0xFFFF  }
0x37: {  	[dreg:$0x0] =	wrdreg $0xFFFFFFFF;
	(pc) =	sbr.abs _section_cstart, $3  }
0x38: {  	[dreg:$0x1] =	wrdreg $0xFFFFFFFF  }
0x39: {  	_ =	task.clear_ibuf [dreg:s7], $0x2FFFF;
	_ =	strace $0x9FFFFFFF  }
0x3a: {  	(tm) =	ssettm $0x7FFFFFFF  }
0x3b: {  	_ =	shalt  }
tec
execute0_lowered:
.L_overlay_start_1:
0x0: {  	(tag) =	ssettag $0x1  }
0x1: {  	s1 =	rddreg [dreg:$0x0]  }
0x2: {  	s2 =	rddreg [dreg:$0x1]  }
0x3: {  	s0 =	rddreg [dreg:$0x2]  }
0x4: {  	s4 =	srdreg.scid;
	_ =	strace $0x80000047;
	s6 =	simm.s32 $0x2  }
0x5: {  	s11 =	simm.s32 $0x0;
	p0 =	por $0x0, $0x0;
	s12 =	simm.s32 $0x0  }
.Ltmp0:
0x6: {  	s13 =	simm.s32 $0x0;
	s8 =	simm.s32 $0x0;
	(pc) =	sbr.rel .LBB1_1-.Ltmp0, $4  }
0x7: {  	s9 =	simm.s32 $0x0;
	s3 =	sadd.s32 $0x168200, s1;
	s4 =	sshll.u32 s4, $0x4  }
0x8: {  	s1 =	stileid.u32;
	s5 =	sand.u32 $0x10, s4;
	s4 =	simm.s32 $0x1  }
0x9: {  	s7 =	simm.s32 $0x0;
	s5 =	sor.u32 s1, s5;
	[sflag:s4] =	ssyncpa.u1 $0x0  }
0xa: {  	[sflag:s6] =	ssyncpa.u1 $0x0;
	s6 =	simm.s32 $0x800;
	s10 =	smov.u32 s5  }
.LBB1_5:
0xb: {  	s14 =	sadd.s32 $0x80, s8  }
0xc: {  	s11 =	simm.s32 $0x1;
	p2 =	sgt.s32 s14, $0xFF  }
0xd: {  	s11 =	simm.s32 @!p2 $0x0  }
0xe: {  	s15 =	sadd.s32 s11, s9  }
0xf: {  	s17 =	smov.u32 s10;
	s11 =	sadd.s32 $0x20, s10;
	p3 =	sgt.s32 s15, $0x14  }
0x10: {  	p1 =	slt.u32 s7, $0x2;
	s17 =	smov.u32 @p3 s11  }
0x11: {  	s7 =	sadd.s32 $0x1, s7;
	s14 =	simm.s32 @p2 $0x0;
	p2 =	sgt.s32 s17, $0x1F  }
0x12: {  	s17 =	smov.u32 @p2 s5;
	p2 =	sne.s32 s7, $0x2C  }
.Ltmp1:
0x13: {  	s16 =	simm.s32 @!p1 $0x2;
	(pc) =	sbr.rel @!p2 .LBB1_6-.Ltmp1, $4  }
0x14: {  	s12 =	smov.u32 s9;
	_ =	swait.ge @!p1 [sflag:s16], $0x2000  }
0x15: {  	s13 =	smov.u32 s10;
	p0 =	por !p0, !p0;
	[sflag:s16] =	ssyncset.done @!p1 $0x0  }
0x16: {  	[sflag:s16] =	ssyncadd.s32 @!p1 $0xFFFFE000;
	s15 =	simm.s32 @p3 $0x0;
	s11 =	smov.u32 s8  }
0x17: {  	s8 =	smov.u32 s14;
	s9 =	smov.u32 s15;
	s10 =	smov.u32 s17  }
.LBB1_1:
0x18: {  	p1 =	sgt.u32 s7, $0x29  }
0x19: {  	s15 =	smul.u32 @!p1 $0x15000, s10  }
0x1a: {  	s14 =	sxor.u32 @!p1 $0xFFFFFFFF, s7;
	s16 =	sshll.u32 @!p1 s9, $0xC  }
0x1b: {  	s17 =	sshll.u32 @!p1 s8, $0x4;
	s14 =	sshll.u32 @!p1 s14, $0xD;
	s15 =	sadd.s32 @!p1 s3, s15  }
0x1c: {  	s17 =	sand.u32 @!p1 $0xFF0, s17;
	s14 =	sand.u32 @!p1 $0x2000, s14;
	s15 =	sadd.s32 @!p1 s16, s15  }
0x1d: {  	s16 =	simm.s32 @!p1 $0x40;
	s15 =	sadd.s32 @!p1 s17, s15;
	s17 =	simm.s32 @!p1 $0x80  }
0x1e: {  	[tilespmem:s14], [sflag:$0x1] =	stream.strided.gather @!p1 [hbm4b:s15+s16], $0x2000, s17, s16, $0x38;
	[tilespmem:$0x8080] =	vst v63  }
0x1f: {  	p1 =	seq.s32 s7, $0x0  }
0x20: {  	p2 =	seq.s32 @!p1 s7, $0x2B  }
0x21: {  	p1 =	por p1, p2  }
.Ltmp2:
0x22: {  	_ = 	snop;
	(pc) =	sbr.rel @p1 .LBB1_5-.Ltmp2, $1  }
0x23: {  	_ =	sdelay $0x3  }
0x24: {  	s14 =	simm.s32 $0x1  }
0x25: {  	_ =	swait.ge [sflag:s4], $0x2000;
	s14 =	simm.s32 @!p0 $0x0  }
0x26: {  	[sflag:s4] =	ssyncset.done $0x0;
	s15 =	sshll.u32 s14, $0xD  }
0x27: {  	[sflag:s4] =	ssyncadd.s32 $0xFFFFE000;
	s18 =	sor.u32 $0x20, s15  }
0x28: {  	s14 =	smul.u32 $0x8100, s14;
	v3 =	vld [tilespmem:s18+$0x10]  }
0x29: {  	s30 =	sand.u32 $0x1, s7;
	v2 =	vld [tilespmem:s18+$0xFFFFFFF0]  }
0x2a: {  	s15 =	smul.u32 $0x8100, s30;
	s14 =	sshrl.u32 s14, $0x2;
	v0 =	vld [tilespmem:s18+$0x0]  }
0x2b: {  	v1 =	vld [tilespmem:s18+$0xFFFFFFE0];
	s16 =	sor.u32 $0x4000, s14  }
0x2c: {  	s31 =	sshrl.u32 s15, $0x2;
	s15 =	sadd.s32 $0x0, s16  }
0x2d: {  	s17 =	simm.s32 $0x4;
	s18 =	sadd.s32 $0x40, s18;
	s14 =	sor.u32 $0x4000, s31;
	[tilespmem:s15+$0x1830 ss:$0x81] =	vst.msk $0xffff, v3  }
.LBB1_3:
0x2e: {  	v3 =	vld [tilespmem:s18+$0x10];
	p1 =	sne.s32 s17, $0x1FC;
	[tilespmem:s15+$0x810 ss:$0x81] =	vst.msk $0xffff, v2;
	s19 =	smov.u32 s17;
	s17 =	sadd.s32 $0x4, s17  }
.Ltmp3:
0x2f: {  	v2 =	vld [tilespmem:s18+$0xFFFFFFF0];
	[tilespmem:s15+$0x1020 ss:$0x81] =	vst.msk $0xffff, v0;
	(pc) =	sbr.rel @p1 .LBB1_3-.Ltmp3, $4  }
0x30: {  	v0 =	vld [tilespmem:s18+$0x0];
	[tilespmem:s15+$0x0 ss:$0x81] =	vst.msk $0xffff, v1  }
0x31: {  	s15 =	sshra.s32 s19, $0x2;
	v1 =	vld [tilespmem:s18+$0xFFFFFFE0]  }
0x32: {  	s15 =	sadd.s32 s15, s16  }
0x33: {  	s18 =	sadd.s32 $0x40, s18;
	[tilespmem:s15+$0x1830 ss:$0x81] =	vst.msk $0xffff, v3  }
0x34: {  	s13 =	smul.u32 $0xA800, s13  }
0x35: {  	s16 =	sand.u32 $0x780, s11  }
.Ltmp4:
0x36: {  	s12 =	sshll.u32 s12, $0xB;
	s13 =	sadd.s32 s2, s13;
	(pc) =	sbr.rel .LBB1_5-.Ltmp4, $4  }
0x37: {  	[tilespmem:s15+$0x810 ss:$0x81] =	vst.msk $0xffff, v2;
	s17 =	sshrl.u32 s11, $0x3;
	s30 =	sand.u32 $0x7, s11;
	s12 =	sadd.s32 s12, s13  }
0x38: {  	[tilespmem:s15+$0x1020 ss:$0x81] =	vst.msk $0xffff, v0;
	s31 =	sand.u32 $0xF, s17;
	s11 =	sshll.u32 s30, $0x12;
	s12 =	sadd.s32 s16, s12  }
0x39: {  	[tilespmem:s15+$0x0 ss:$0x81] =	vst.msk $0xffff, v1;
	s11 =	sor.u32 $0x400, s11;
	s12 =	sadd.s32 s31, s12  }
0x3a: {  	[hbm4b:s12+s11] =	stream.strided.scatter [tilespmem:s14], [sflag:$0x2], $0x2000, s6, s11, $0x20;
	[tilespmem:$0x8080] =	vst v63  }
.LBB1_6:
0x3b: {  	_ =	sfence.sel $0x180000  }
0x3c: {  	s2 =	simm.s32 $0x1;
	[bflag:$0x0] =	sbarrier.arrive $0xFFFF  }
0x3d: {  	s31 =	simm.s32 $0x2;
	[sflag:s2] =	ssyncpa.u1 $0x1  }
0x3e: {  	[sflag:s31] =	ssyncpa.u1 $0x1  }
0x3f: {  	p0 =	sne.s32 s1, $0x0;
	_ =	strace $0x90000047  }
0x40: {  	s0 =	sadd.s32 @!p0 $0x100000, s0;
	[bflag:$0x2] =	sbarrier.arrive $0xFFFF  }
0x41: {  	[sflag:s0] =	ssyncadd.tile.s32 @!p0 $0x1;
	_ =	shalt  }
.Lfunc_end1:
_tile_overlayer_lowered:
.L_overlay_start_2:
0x42: {  	(tag) =	ssettag $0x2  }
0x43: {  	s0 =	rddreg [dreg:$0x0];
	s2 =	stileid.u32  }
0x44: {  	s1 =	rddreg [dreg:$0x1];
	p0 =	sne.s32 s2, $0x0  }
0x45: {  	s3 =	rddreg [dreg:$0x2];
	[bflag:$0x3] =	sbarrier.arrive $0xFFFF;
	s2 =	simm.s32 @!p0 $0x1C01  }
0x46: {  	[timem:s3], [sflag:s2] =	dma.local @!p0 [hbm:s0], s1  }
0x47: {  	s0 =	simm.s32 @!p0 $0x1  }
0x48: {  	_ =	swait.ge @!p0 [sflag:s0], s1  }
0x49: {  	s1 =	ssub.s32 @!p0 $0x0, s1;
	[sflag:s0] =	ssyncset.done @!p0 $0x0  }
0x4a: {  	[sflag:s0] =	ssyncadd.s32 @!p0 s1  }
0x4b: {  	[bflag:$0x3] =	sbarrier.arrive $0xFFFF  }
0x4c: {  	_ =	shalt  }

</sc_bundles>
